<compile_context>
chip_gen: v7x
topology: tpu7x:2x2x1
jax: 0.10.2.dev20260603
libtpu: 0.0.44.dev20260713+nightly
codegen_flags: <defaults>
</compile_context>

<pallas_src>
import functools

import jax
import jax.numpy as jnp
from jax import lax
from jax.experimental import pallas as pl
from jax.experimental.pallas import tpu as pltpu
from jax.experimental.pallas import tpu_sc as plsc

N = 10000
D = 128
E = 320000
NC, NS = 2, 16
NW = NC * NS
EPW = E // NW
CH = 80
NCHUNK = EPW // CH
NPAIR = NCHUNK // 2
RPT = N // NS

_mesh = plsc.VectorSubcoreMesh(core_axis_name="c", subcore_axis_name="s")


@functools.partial(
    pl.kernel,
    mesh=_mesh,
    out_type=jax.ShapeDtypeStruct((NC, NS, RPT, D), jnp.float32),
    scratch_types=[
        pltpu.VMEM((4, CH), jnp.int32),
        pltpu.VMEM((4, CH), jnp.int32),
        pltpu.VMEM((CH, D), jnp.float32),
        pltpu.VMEM((CH, D), jnp.float32),
        pltpu.VMEM((CH, D), jnp.float32),
        pltpu.VMEM((CH, D), jnp.float32),
        pltpu.VMEM_SHARED((N, D), jnp.float32),
        pltpu.SemaphoreType.DMA,
        pltpu.SemaphoreType.DMA,
        pltpu.SemaphoreType.DMA,
        pltpu.SemaphoreType.DMA,
        pltpu.SemaphoreType.DMA,
        pltpu.SemaphoreType.DMA,
        pltpu.SemaphoreType.DMA,
        pltpu.SemaphoreType.DMA,
    ],
)
def _segsum_sc(x_hbm, src_hbm, dst_hbm, zero_hbm, out_hbm,
               src_v, dst_v, r0, r1, r2, r3, acc_sh,
               g0, g1, g2, g3, s0, s1, s2, s3):
    cid = lax.axis_index("c")
    sid = lax.axis_index("s")
    wid = sid * NC + cid

    pltpu.sync_copy(zero_hbm, acc_sh.at[pl.ds(sid * RPT, RPT)])
    plsc.subcore_barrier()

    rows = (r0, r1, r2, r3)
    gsems = (g0, g1, g2, g3)
    ssems = (s0, s1, s2, s3)
    base = wid * EPW

    def load_idx(k, i):
        off = base + k * CH
        pltpu.sync_copy(src_hbm.at[pl.ds(off, CH)], src_v.at[i])
        pltpu.sync_copy(dst_hbm.at[pl.ds(off, CH)], dst_v.at[i])

    def start_gather(i):
        pltpu.async_copy(x_hbm.at[src_v.at[i]], rows[i], gsems[i])

    def wait_gather(i):
        pltpu.make_async_copy(x_hbm.at[src_v.at[i]], rows[i], gsems[i]).wait()

    def start_scatter(i):
        pltpu.async_copy(rows[i], acc_sh.at[dst_v.at[i]], ssems[i], add=True)

    def wait_scatter(i):
        pltpu.make_async_copy(rows[i], acc_sh.at[dst_v.at[i]], ssems[i]).wait()

    load_idx(0, 0)
    start_gather(0)
    load_idx(1, 1)
    start_gather(1)

    def step(k, i_re, i_cur):
        @pl.when(jnp.logical_and(k >= 2, k <= NCHUNK + 1))
        def _():
            wait_scatter(i_re)

        @pl.when(k + 2 <= NCHUNK - 1)
        def _():
            load_idx(k + 2, i_re)
            start_gather(i_re)

        @pl.when(k <= NCHUNK - 1)
        def _():
            wait_gather(i_cur)
            start_scatter(i_cur)

    def body(j, carry):
        for t in range(4):
            k = 4 * j + t
            step(k, (t + 2) % 4, t)
        return carry

    lax.fori_loop(0, (NCHUNK + 2 + 3) // 4, body, 0)

    plsc.subcore_barrier()
    pltpu.sync_copy(acc_sh.at[pl.ds(sid * RPT, RPT)], out_hbm.at[cid, sid])


def _linear_body(x_ref, p0_ref, p1_ref, w_ref, b_ref, o_ref):
    h = x_ref[...] + p0_ref[...] + p1_ref[...]
    y = lax.dot_general(h, w_ref[...], (((1,), (1,)), ((), ())),
                        preferred_element_type=jnp.float32) + b_ref[...]
    o_ref[...] = jnp.maximum(y, 0.0)


def _final_body(h_ref, q0_ref, q1_ref, w2_ref, b2_ref, wc_ref, bc_ref, o_ref):
    h = h_ref[...] + q0_ref[...] + q1_ref[...]
    h2 = jnp.maximum(
        lax.dot_general(h, w2_ref[...], (((1,), (1,)), ((), ())),
                        preferred_element_type=jnp.float32) + b2_ref[...],
        0.0)
    y = lax.dot_general(h2, wc_ref[...], (((1,), (1,)), ((), ())),
                        preferred_element_type=jnp.float32) + bc_ref[...]
    m = jnp.max(y, axis=1, keepdims=True)
    e = jnp.exp(y - m)
    o_ref[...] = (y - m) - jnp.log(jnp.sum(e, axis=1, keepdims=True))


_ROWS_BLK = 1000
_GRID = N // _ROWS_BLK

_row_spec = pl.BlockSpec((_ROWS_BLK, D), lambda i: (i, 0))
_full_spec = pl.BlockSpec((D, D), lambda i: (0, 0))
_bias_spec = pl.BlockSpec((1, D), lambda i: (0, 0))

_linear_tc = pl.pallas_call(
    _linear_body,
    grid=(_GRID,),
    in_specs=[_row_spec, _row_spec, _row_spec, _full_spec, _bias_spec],
    out_specs=_row_spec,
    out_shape=jax.ShapeDtypeStruct((N, D), jnp.float32),
)

_final_tc = pl.pallas_call(
    _final_body,
    grid=(_GRID,),
    in_specs=[_row_spec, _row_spec, _row_spec,
              _full_spec, _bias_spec, _full_spec, _bias_spec],
    out_specs=_row_spec,
    out_shape=jax.ShapeDtypeStruct((N, D), jnp.float32),
)


def kernel(x, edge_index, W1, b1, W2, b2, Wc, bc):
    ei = edge_index.astype(jnp.int32)
    src, dst = ei[0], ei[1]
    zeros = jnp.zeros((RPT, D), jnp.float32)

    p = _segsum_sc(x, src, dst, zeros).reshape(NC, N, D)
    h1 = _linear_tc(x, p[0], p[1], W1, b1[None, :])
    q = _segsum_sc(h1, src, dst, zeros).reshape(NC, N, D)
    return _final_tc(h1, q[0], q[1], W2, b2[None, :], Wc, bc[None, :])

# --- scband reference (transcript-rebuilt; emitter-appended) ---
"""Pipeline reference for scband-gin-model-ben2-27152783245343 (READ-ONLY COPY).

The authoritative reference and input builder live on the scoring server;
editing this copy changes nothing except your own understanding.
"""

import jax, jax.numpy as jnp
import numpy as np

N = 10000
E = 320000
D_IN = 128
D_HID = 128
D_OUT = 128


def setup_inputs(seed: int = 0) -> dict:
    key = jax.random.key(seed)
    ks = [jax.random.fold_in(key, i) for i in range(8)]
    x = jax.random.normal(ks[0], (N, D_IN), dtype=jnp.float32)
    edge_index = jax.random.randint(ks[1], (2, E), 0, N, dtype=jnp.int64)
    s1 = 1.0 / np.sqrt(D_IN)
    W1 = jax.random.uniform(ks[2], (D_HID, D_IN), minval=-s1, maxval=s1, dtype=jnp.float32)
    b1 = jax.random.uniform(ks[3], (D_HID,), minval=-s1, maxval=s1, dtype=jnp.float32)
    s2 = 1.0 / np.sqrt(D_HID)
    W2 = jax.random.uniform(ks[4], (D_OUT, D_HID), minval=-s2, maxval=s2, dtype=jnp.float32)
    b2 = jax.random.uniform(ks[5], (D_OUT,), minval=-s2, maxval=s2, dtype=jnp.float32)
    sc = 1.0 / np.sqrt(D_OUT)
    Wc = jax.random.uniform(ks[6], (D_OUT, D_OUT), minval=-sc, maxval=sc, dtype=jnp.float32)
    bc = jax.random.uniform(ks[7], (D_OUT,), minval=-sc, maxval=sc, dtype=jnp.float32)
    return {"x": x, "edge_index": edge_index, "W1": W1, "b1": b1, "W2": W2, "b2": b2, "Wc": Wc, "bc": bc}


def _gin_conv(x, edge_index, W, b):
    # PyG GINConv with default eps=0: nn((1+eps)*x + sum_{j in N(i)} x_j)
    src = edge_index[0]
    dst = edge_index[1]
    agg = jnp.zeros_like(x).at[dst].add(x[src])
    h = x + agg
    return h @ W.T + b


def reference(x, edge_index, W1, b1, W2, b2, Wc, bc):
    h = _gin_conv(x, edge_index, W1, b1)
    h = jax.nn.relu(h)
    h = _gin_conv(h, edge_index, W2, b2)
    h = jax.nn.relu(h)
    # dropout=0 -> no-op
    # self.Conv: 1x1 Conv1d over channel dim == per-node linear projection
    y = h @ Wc.T + bc
    return jax.nn.log_softmax(y, axis=1)

if __name__ == "__main__":
    import jax
    _d = setup_inputs()
    print(jax.jit(kernel)(*tuple(_d.values())))

</pallas_src>

<mosaic_0001>
#map = affine_map<(d0, d1) -> (0, 0)>
#map1 = affine_map<(d0, d1) -> (0)>
#map2 = affine_map<(d0, d1) -> (0, 0, 0, 0)>
module attributes {stable_mosaic.version = 14 : i64} {
  func.func @_segsum_sc(%arg0: i32, %arg1: i32, %arg2: memref<10000x128xf32, #tpu.memory_space<hbm>>, %arg3: memref<320000xi32, #tpu.memory_space<hbm>>, %arg4: memref<320000xi32, #tpu.memory_space<hbm>>, %arg5: memref<625x128xf32, #tpu.memory_space<hbm>>, %arg6: memref<2x16x625x128xf32, #tpu.memory_space<hbm>>, %arg7: memref<4x80xi32, #tpu.memory_space<vmem>>, %arg8: memref<4x80xi32, #tpu.memory_space<vmem>>, %arg9: memref<80x128xf32, #tpu.memory_space<vmem>>, %arg10: memref<80x128xf32, #tpu.memory_space<vmem>>, %arg11: memref<80x128xf32, #tpu.memory_space<vmem>>, %arg12: memref<80x128xf32, #tpu.memory_space<vmem>>, %arg13: memref<10000x128xf32, #tpu.memory_space<vmem_shared>>, %arg14: memref<!tpu.dma_semaphore, #tpu.memory_space<semaphore_mem>>, %arg15: memref<!tpu.dma_semaphore, #tpu.memory_space<semaphore_mem>>, %arg16: memref<!tpu.dma_semaphore, #tpu.memory_space<semaphore_mem>>, %arg17: memref<!tpu.dma_semaphore, #tpu.memory_space<semaphore_mem>>, %arg18: memref<!tpu.dma_semaphore, #tpu.memory_space<semaphore_mem>>, %arg19: memref<!tpu.dma_semaphore, #tpu.memory_space<semaphore_mem>>, %arg20: memref<!tpu.dma_semaphore, #tpu.memory_space<semaphore_mem>>, %arg21: memref<!tpu.dma_semaphore, #tpu.memory_space<semaphore_mem>>) attributes {dimension_semantics = [#tpu.dimension_semantics<core_parallel>, #tpu.dimension_semantics<subcore_parallel>], iteration_bounds = array<i64: 2, 16>, scalar_prefetch = 0 : i64, scratch_operands = 15 : i64, tpu.core_type = #tpu.core_type<sc_vector_subcore>, window_params = [{transform_indices = #map}, {transform_indices = #map1}, {transform_indices = #map1}, {transform_indices = #map}, {transform_indices = #map2}]} {
    %mul3A = arith.constant 2 : i32
    %mul3A_0 = arith.muli %arg1, %mul3A : i32
    %add3A = arith.addi %mul3A_0, %arg0 : i32
    %mul3A_1 = arith.constant 625 : i32
    %mul3A_2 = arith.muli %arg1, %mul3A_1 : i32
    "tpu.region"() ({
      %run_scoped3A_33 = tpu.sem_alloc : memref<!tpu.dma_semaphore, #tpu.memory_space<semaphore_mem>>
      %dma_start3A_34 = arith.constant 0 : i32
      %dma_start3A_35 = tpu.memref_slice %arg13[%mul3A_2, %dma_start3A_34] : memref<10000x128xf32, #tpu.memory_space<vmem_shared>> -> memref<625x128xf32, #tpu.memory_space<vmem_shared>>
      tpu.enqueue_dma source(%arg5 : memref<625x128xf32, #tpu.memory_space<hbm>>) target(%dma_start3A_35 : memref<625x128xf32, #tpu.memory_space<vmem_shared>>) target_semaphore(%run_scoped3A_33 : memref<!tpu.dma_semaphore, #tpu.memory_space<semaphore_mem>>)
      %dma_wait3A = arith.constant 0 : i32
      %dma_wait3A_36 = tpu.memref_slice %arg13[%mul3A_2, %dma_wait3A] : memref<10000x128xf32, #tpu.memory_space<vmem_shared>> -> memref<625x128xf32, #tpu.memory_space<vmem_shared>>
      tpu.wait_dma2 semaphore(%run_scoped3A_33 : memref<!tpu.dma_semaphore, #tpu.memory_space<semaphore_mem>>) src(%arg5 : memref<625x128xf32, #tpu.memory_space<hbm>>) dst(%dma_wait3A_36 : memref<625x128xf32, #tpu.memory_space<vmem_shared>>)
      tpu.yield
    }) : () -> ()
    %barrier3A = arith.constant 0 : index
    tpu.barrier barrier_id(%barrier3A)
    %mul3A_3 = arith.constant 10000 : i32
    %mul3A_4 = arith.muli %add3A, %mul3A_3 : i32
    %add3A_5 = arith.constant 0 : i32
    %add3A_6 = arith.addi %mul3A_4, %add3A_5 : i32
    %run_scoped3A = arith.constant 0 : i32
    "tpu.region"() ({
      %run_scoped3A_33 = tpu.sem_alloc : memref<!tpu.dma_semaphore, #tpu.memory_space<semaphore_mem>>
      %dma_start3A_34 = arith.constant 0 : i32
      %dma_start3A_35 = tpu.memref_slice %arg7[%run_scoped3A, %dma_start3A_34] : memref<4x80xi32, #tpu.memory_space<vmem>> -> memref<1x80xi32, #tpu.memory_space<vmem>>
      %dma_start3A_36 = tpu.memref_squeeze %dma_start3A_35 : memref<1x80xi32, #tpu.memory_space<vmem>> -> memref<80xi32, #tpu.memory_space<vmem>>
      %dma_start3A_37 = tpu.memref_slice %arg3[%add3A_6] : memref<320000xi32, #tpu.memory_space<hbm>> -> memref<80xi32, #tpu.memory_space<hbm>>
      %dma_start3A_38 = arith.constant 0 : i32
      %dma_start3A_39 = tpu.memref_slice %arg7[%run_scoped3A, %dma_start3A_38] : memref<4x80xi32, #tpu.memory_space<vmem>> -> memref<1x80xi32, #tpu.memory_space<vmem>>
      %dma_start3A_40 = tpu.memref_squeeze %dma_start3A_39 : memref<1x80xi32, #tpu.memory_space<vmem>> -> memref<80xi32, #tpu.memory_space<vmem>>
      %dma_start3A_41 = tpu.memref_slice %arg3[%add3A_6] : memref<320000xi32, #tpu.memory_space<hbm>> -> memref<80xi32, #tpu.memory_space<hbm>>
      tpu.enqueue_dma source(%dma_start3A_41 : memref<80xi32, #tpu.memory_space<hbm>>) target(%dma_start3A_40 : memref<80xi32, #tpu.memory_space<vmem>>) target_semaphore(%run_scoped3A_33 : memref<!tpu.dma_semaphore, #tpu.memory_space<semaphore_mem>>)
      %dma_wait3A = arith.constant 0 : i32
      %dma_wait3A_42 = tpu.memref_slice %arg7[%run_scoped3A, %dma_wait3A] : memref<4x80xi32, #tpu.memory_space<vmem>> -> memref<1x80xi32, #tpu.memory_space<vmem>>
      %dma_wait3A_43 = tpu.memref_squeeze %dma_wait3A_42 : memref<1x80xi32, #tpu.memory_space<vmem>> -> memref<80xi32, #tpu.memory_space<vmem>>
      %dma_wait3A_44 = tpu.memref_slice %arg3[%add3A_6] : memref<320000xi32, #tpu.memory_space<hbm>> -> memref<80xi32, #tpu.memory_space<hbm>>
      %dma_wait3A_45 = arith.constant 0 : i32
      %dma_wait3A_46 = tpu.memref_slice %arg7[%run_scoped3A, %dma_wait3A_45] : memref<4x80xi32, #tpu.memory_space<vmem>> -> memref<1x80xi32, #tpu.memory_space<vmem>>
      %dma_wait3A_47 = tpu.memref_squeeze %dma_wait3A_46 : memref<1x80xi32, #tpu.memory_space<vmem>> -> memref<80xi32, #tpu.memory_space<vmem>>
      %dma_wait3A_48 = tpu.memref_slice %arg3[%add3A_6] : memref<320000xi32, #tpu.memory_space<hbm>> -> memref<80xi32, #tpu.memory_space<hbm>>
      tpu.wait_dma2 semaphore(%run_scoped3A_33 : memref<!tpu.dma_semaphore, #tpu.memory_space<semaphore_mem>>) src(%dma_wait3A_48 : memref<80xi32, #tpu.memory_space<hbm>>) dst(%dma_wait3A_47 : memref<80xi32, #tpu.memory_space<vmem>>)
      tpu.yield
    }) : () -> ()
    %run_scoped3A_7 = arith.constant 0 : i32
    "tpu.region"() ({
      %run_scoped3A_33 = tpu.sem_alloc : memref<!tpu.dma_semaphore, #tpu.memory_space<semaphore_mem>>
      %dma_start3A_34 = arith.constant 0 : i32
      %dma_start3A_35 = tpu.memref_slice %arg8[%run_scoped3A_7, %dma_start3A_34] : memref<4x80xi32, #tpu.memory_space<vmem>> -> memref<1x80xi32, #tpu.memory_space<vmem>>
      %dma_start3A_36 = tpu.memref_squeeze %dma_start3A_35 : memref<1x80xi32, #tpu.memory_space<vmem>> -> memref<80xi32, #tpu.memory_space<vmem>>
      %dma_start3A_37 = tpu.memref_slice %arg4[%add3A_6] : memref<320000xi32, #tpu.memory_space<hbm>> -> memref<80xi32, #tpu.memory_space<hbm>>
      %dma_start3A_38 = arith.constant 0 : i32
      %dma_start3A_39 = tpu.memref_slice %arg8[%run_scoped3A_7, %dma_start3A_38] : memref<4x80xi32, #tpu.memory_space<vmem>> -> memref<1x80xi32, #tpu.memory_space<vmem>>
      %dma_start3A_40 = tpu.memref_squeeze %dma_start3A_39 : memref<1x80xi32, #tpu.memory_space<vmem>> -> memref<80xi32, #tpu.memory_space<vmem>>
      %dma_start3A_41 = tpu.memref_slice %arg4[%add3A_6] : memref<320000xi32, #tpu.memory_space<hbm>> -> memref<80xi32, #tpu.memory_space<hbm>>
      tpu.enqueue_dma source(%dma_start3A_41 : memref<80xi32, #tpu.memory_space<hbm>>) target(%dma_start3A_40 : memref<80xi32, #tpu.memory_space<vmem>>) target_semaphore(%run_scoped3A_33 : memref<!tpu.dma_semaphore, #tpu.memory_space<semaphore_mem>>)
      %dma_wait3A = arith.constant 0 : i32
      %dma_wait3A_42 = tpu.memref_slice %arg8[%run_scoped3A_7, %dma_wait3A] : memref<4x80xi32, #tpu.memory_space<vmem>> -> memref<1x80xi32, #tpu.memory_space<vmem>>
      %dma_wait3A_43 = tpu.memref_squeeze %dma_wait3A_42 : memref<1x80xi32, #tpu.memory_space<vmem>> -> memref<80xi32, #tpu.memory_space<vmem>>
      %dma_wait3A_44 = tpu.memref_slice %arg4[%add3A_6] : memref<320000xi32, #tpu.memory_space<hbm>> -> memref<80xi32, #tpu.memory_space<hbm>>
      %dma_wait3A_45 = arith.constant 0 : i32
      %dma_wait3A_46 = tpu.memref_slice %arg8[%run_scoped3A_7, %dma_wait3A_45] : memref<4x80xi32, #tpu.memory_space<vmem>> -> memref<1x80xi32, #tpu.memory_space<vmem>>
      %dma_wait3A_47 = tpu.memref_squeeze %dma_wait3A_46 : memref<1x80xi32, #tpu.memory_space<vmem>> -> memref<80xi32, #tpu.memory_space<vmem>>
      %dma_wait3A_48 = tpu.memref_slice %arg4[%add3A_6] : memref<320000xi32, #tpu.memory_space<hbm>> -> memref<80xi32, #tpu.memory_space<hbm>>
      tpu.wait_dma2 semaphore(%run_scoped3A_33 : memref<!tpu.dma_semaphore, #tpu.memory_space<semaphore_mem>>) src(%dma_wait3A_48 : memref<80xi32, #tpu.memory_space<hbm>>) dst(%dma_wait3A_47 : memref<80xi32, #tpu.memory_space<vmem>>)
      tpu.yield
    }) : () -> ()
    %dma_start3A = arith.constant 0 : i32
    %dma_start3A_8 = arith.constant 0 : i32
    %dma_start3A_9 = tpu.memref_slice %arg7[%dma_start3A, %dma_start3A_8] : memref<4x80xi32, #tpu.memory_space<vmem>> -> memref<1x80xi32, #tpu.memory_space<vmem>>
    %dma_start3A_10 = tpu.memref_squeeze %dma_start3A_9 : memref<1x80xi32, #tpu.memory_space<vmem>> -> memref<80xi32, #tpu.memory_space<vmem>>
    %dma_start3A_11 = arith.constant 0 : i32
    %dma_start3A_12 = arith.constant 0 : i32
    %dma_start3A_13 = tpu.memref_slice %arg2[%dma_start3A_11, %dma_start3A_12] : memref<10000x128xf32, #tpu.memory_space<hbm>> -> memref<10000x128xf32, #tpu.memory_space<hbm>>
    tpu.enqueue_indirect_dma source(%dma_start3A_13 : memref<10000x128xf32, #tpu.memory_space<hbm>>) target(%arg9 : memref<80x128xf32, #tpu.memory_space<vmem>>) offsets(%dma_start3A_10 : memref<80xi32, #tpu.memory_space<vmem>>) semaphore(%arg14 : memref<!tpu.dma_semaphore, #tpu.memory_space<semaphore_mem>>)
    %add3A_14 = arith.constant 80 : i32
    %add3A_15 = arith.addi %mul3A_4, %add3A_14 : i32
    %run_scoped3A_16 = arith.constant 1 : i32
    "tpu.region"() ({
      %run_scoped3A_33 = tpu.sem_alloc : memref<!tpu.dma_semaphore, #tpu.memory_space<semaphore_mem>>
      %dma_start3A_34 = arith.constant 0 : i32
      %dma_start3A_35 = tpu.memref_slice %arg7[%run_scoped3A_16, %dma_start3A_34] : memref<4x80xi32, #tpu.memory_space<vmem>> -> memref<1x80xi32, #tpu.memory_space<vmem>>
      %dma_start3A_36 = tpu.memref_squeeze %dma_start3A_35 : memref<1x80xi32, #tpu.memory_space<vmem>> -> memref<80xi32, #tpu.memory_space<vmem>>
      %dma_start3A_37 = tpu.memref_slice %arg3[%add3A_15] : memref<320000xi32, #tpu.memory_space<hbm>> -> memref<80xi32, #tpu.memory_space<hbm>>
      %dma_start3A_38 = arith.constant 0 : i32
      %dma_start3A_39 = tpu.memref_slice %arg7[%run_scoped3A_16, %dma_start3A_38] : memref<4x80xi32, #tpu.memory_space<vmem>> -> memref<1x80xi32, #tpu.memory_space<vmem>>
      %dma_start3A_40 = tpu.memref_squeeze %dma_start3A_39 : memref<1x80xi32, #tpu.memory_space<vmem>> -> memref<80xi32, #tpu.memory_space<vmem>>
      %dma_start3A_41 = tpu.memref_slice %arg3[%add3A_15] : memref<320000xi32, #tpu.memory_space<hbm>> -> memref<80xi32, #tpu.memory_space<hbm>>
      tpu.enqueue_dma source(%dma_start3A_41 : memref<80xi32, #tpu.memory_space<hbm>>) target(%dma_start3A_40 : memref<80xi32, #tpu.memory_space<vmem>>) target_semaphore(%run_scoped3A_33 : memref<!tpu.dma_semaphore, #tpu.memory_space<semaphore_mem>>)
      %dma_wait3A = arith.constant 0 : i32
      %dma_wait3A_42 = tpu.memref_slice %arg7[%run_scoped3A_16, %dma_wait3A] : memref<4x80xi32, #tpu.memory_space<vmem>> -> memref<1x80xi32, #tpu.memory_space<vmem>>
      %dma_wait3A_43 = tpu.memref_squeeze %dma_wait3A_42 : memref<1x80xi32, #tpu.memory_space<vmem>> -> memref<80xi32, #tpu.memory_space<vmem>>
      %dma_wait3A_44 = tpu.memref_slice %arg3[%add3A_15] : memref<320000xi32, #tpu.memory_space<hbm>> -> memref<80xi32, #tpu.memory_space<hbm>>
      %dma_wait3A_45 = arith.constant 0 : i32
      %dma_wait3A_46 = tpu.memref_slice %arg7[%run_scoped3A_16, %dma_wait3A_45] : memref<4x80xi32, #tpu.memory_space<vmem>> -> memref<1x80xi32, #tpu.memory_space<vmem>>
      %dma_wait3A_47 = tpu.memref_squeeze %dma_wait3A_46 : memref<1x80xi32, #tpu.memory_space<vmem>> -> memref<80xi32, #tpu.memory_space<vmem>>
      %dma_wait3A_48 = tpu.memref_slice %arg3[%add3A_15] : memref<320000xi32, #tpu.memory_space<hbm>> -> memref<80xi32, #tpu.memory_space<hbm>>
      tpu.wait_dma2 semaphore(%run_scoped3A_33 : memref<!tpu.dma_semaphore, #tpu.memory_space<semaphore_mem>>) src(%dma_wait3A_48 : memref<80xi32, #tpu.memory_space<hbm>>) dst(%dma_wait3A_47 : memref<80xi32, #tpu.memory_space<vmem>>)
      tpu.yield
    }) : () -> ()
    %run_scoped3A_17 = arith.constant 1 : i32
    "tpu.region"() ({
      %run_scoped3A_33 = tpu.sem_alloc : memref<!tpu.dma_semaphore, #tpu.memory_space<semaphore_mem>>
      %dma_start3A_34 = arith.constant 0 : i32
      %dma_start3A_35 = tpu.memref_slice %arg8[%run_scoped3A_17, %dma_start3A_34] : memref<4x80xi32, #tpu.memory_space<vmem>> -> memref<1x80xi32, #tpu.memory_space<vmem>>
      %dma_start3A_36 = tpu.memref_squeeze %dma_start3A_35 : memref<1x80xi32, #tpu.memory_space<vmem>> -> memref<80xi32, #tpu.memory_space<vmem>>
      %dma_start3A_37 = tpu.memref_slice %arg4[%add3A_15] : memref<320000xi32, #tpu.memory_space<hbm>> -> memref<80xi32, #tpu.memory_space<hbm>>
      %dma_start3A_38 = arith.constant 0 : i32
      %dma_start3A_39 = tpu.memref_slice %arg8[%run_scoped3A_17, %dma_start3A_38] : memref<4x80xi32, #tpu.memory_space<vmem>> -> memref<1x80xi32, #tpu.memory_space<vmem>>
      %dma_start3A_40 = tpu.memref_squeeze %dma_start3A_39 : memref<1x80xi32, #tpu.memory_space<vmem>> -> memref<80xi32, #tpu.memory_space<vmem>>
      %dma_start3A_41 = tpu.memref_slice %arg4[%add3A_15] : memref<320000xi32, #tpu.memory_space<hbm>> -> memref<80xi32, #tpu.memory_space<hbm>>
      tpu.enqueue_dma source(%dma_start3A_41 : memref<80xi32, #tpu.memory_space<hbm>>) target(%dma_start3A_40 : memref<80xi32, #tpu.memory_space<vmem>>) target_semaphore(%run_scoped3A_33 : memref<!tpu.dma_semaphore, #tpu.memory_space<semaphore_mem>>)
      %dma_wait3A = arith.constant 0 : i32
      %dma_wait3A_42 = tpu.memref_slice %arg8[%run_scoped3A_17, %dma_wait3A] : memref<4x80xi32, #tpu.memory_space<vmem>> -> memref<1x80xi32, #tpu.memory_space<vmem>>
      %dma_wait3A_43 = tpu.memref_squeeze %dma_wait3A_42 : memref<1x80xi32, #tpu.memory_space<vmem>> -> memref<80xi32, #tpu.memory_space<vmem>>
      %dma_wait3A_44 = tpu.memref_slice %arg4[%add3A_15] : memref<320000xi32, #tpu.memory_space<hbm>> -> memref<80xi32, #tpu.memory_space<hbm>>
      %dma_wait3A_45 = arith.constant 0 : i32
      %dma_wait3A_46 = tpu.memref_slice %arg8[%run_scoped3A_17, %dma_wait3A_45] : memref<4x80xi32, #tpu.memory_space<vmem>> -> memref<1x80xi32, #tpu.memory_space<vmem>>
      %dma_wait3A_47 = tpu.memref_squeeze %dma_wait3A_46 : memref<1x80xi32, #tpu.memory_space<vmem>> -> memref<80xi32, #tpu.memory_space<vmem>>
      %dma_wait3A_48 = tpu.memref_slice %arg4[%add3A_15] : memref<320000xi32, #tpu.memory_space<hbm>> -> memref<80xi32, #tpu.memory_space<hbm>>
      tpu.wait_dma2 semaphore(%run_scoped3A_33 : memref<!tpu.dma_semaphore, #tpu.memory_space<semaphore_mem>>) src(%dma_wait3A_48 : memref<80xi32, #tpu.memory_space<hbm>>) dst(%dma_wait3A_47 : memref<80xi32, #tpu.memory_space<vmem>>)
      tpu.yield
    }) : () -> ()
    %dma_start3A_18 = arith.constant 1 : i32
    %dma_start3A_19 = arith.constant 0 : i32
    %dma_start3A_20 = tpu.memref_slice %arg7[%dma_start3A_18, %dma_start3A_19] : memref<4x80xi32, #tpu.memory_space<vmem>> -> memref<1x80xi32, #tpu.memory_space<vmem>>
    %dma_start3A_21 = tpu.memref_squeeze %dma_start3A_20 : memref<1x80xi32, #tpu.memory_space<vmem>> -> memref<80xi32, #tpu.memory_space<vmem>>
    %dma_start3A_22 = arith.constant 0 : i32
    %dma_start3A_23 = arith.constant 0 : i32
    %dma_start3A_24 = tpu.memref_slice %arg2[%dma_start3A_22, %dma_start3A_23] : memref<10000x128xf32, #tpu.memory_space<hbm>> -> memref<10000x128xf32, #tpu.memory_space<hbm>>
    tpu.enqueue_indirect_dma source(%dma_start3A_24 : memref<10000x128xf32, #tpu.memory_space<hbm>>) target(%arg10 : memref<80x128xf32, #tpu.memory_space<vmem>>) offsets(%dma_start3A_21 : memref<80xi32, #tpu.memory_space<vmem>>) semaphore(%arg15 : memref<!tpu.dma_semaphore, #tpu.memory_space<semaphore_mem>>)
    %scan3A = arith.constant 0 : i32
    %scan3A_25 = arith.constant 0 : i32
    %scan3A_26 = arith.constant 32 : i32
    %scan3A_27 = arith.addi %scan3A_25, %scan3A_26 : i32
    %scan3A_28 = arith.constant 1 : i32
    scf.for %scan3A_33 = %scan3A_25 to %scan3A_27 step %scan3A_28  : i32 {
      %mul3A_34 = arith.constant 4 : i32
      %mul3A_35 = arith.muli %mul3A_34, %scan3A_33 : i32
      %add3A_36 = arith.constant 0 : i32
      %add3A_37 = arith.addi %mul3A_35, %add3A_36 : i32
      %ge3A = arith.constant 2 : i32
      %ge3A_38 = arith.cmpi sge, %add3A_37, %ge3A : i32
      %le3A = arith.constant 126 : i32
      %le3A_39 = arith.cmpi sle, %add3A_37, %le3A : i32
      %and3A = arith.andi %ge3A_38, %le3A_39 : i1
      %convert_element_type3A = arith.extui %and3A : i1 to i32
      %cond3A = arith.constant 0 : i32
      %cond3A_40 = arith.cmpi ne, %convert_element_type3A, %cond3A : i32
      scf.if %cond3A_40 {
        %dma_wait3A = arith.constant 2 : i32
        %dma_wait3A_125 = arith.constant 0 : i32
        %dma_wait3A_126 = tpu.memref_slice %arg8[%dma_wait3A, %dma_wait3A_125] : memref<4x80xi32, #tpu.memory_space<vmem>> -> memref<1x80xi32, #tpu.memory_space<vmem>>
        %dma_wait3A_127 = tpu.memref_squeeze %dma_wait3A_126 : memref<1x80xi32, #tpu.memory_space<vmem>> -> memref<80xi32, #tpu.memory_space<vmem>>
        %dma_wait3A_128 = arith.constant 0 : i32
        %dma_wait3A_129 = arith.constant 0 : i32
        %dma_wait3A_130 = tpu.memref_slice %arg13[%dma_wait3A_128, %dma_wait3A_129] : memref<10000x128xf32, #tpu.memory_space<vmem_shared>> -> memref<10000x128xf32, #tpu.memory_space<vmem_shared>>
        tpu.wait_indirect_dma semaphore(%arg20 : memref<!tpu.dma_semaphore, #tpu.memory_space<semaphore_mem>>) src(%arg11 : memref<80x128xf32, #tpu.memory_space<vmem>>) dst(%dma_wait3A_130 : memref<10000x128xf32, #tpu.memory_space<vmem_shared>>)
      } else {
      }
      %add3A_41 = arith.constant 2 : i32
      %add3A_42 = arith.addi %add3A_37, %add3A_41 : i32
      %le3A_43 = arith.constant 124 : i32
      %le3A_44 = arith.cmpi sle, %add3A_42, %le3A_43 : i32
      %convert_element_type3A_45 = arith.extui %le3A_44 : i1 to i32
      %cond3A_46 = arith.constant 0 : i32
      %cond3A_47 = arith.cmpi ne, %convert_element_type3A_45, %cond3A_46 : i32
      scf.if %cond3A_47 {
        %add3A_125 = arith.constant 2 : i32
        %add3A_126 = arith.addi %add3A_37, %add3A_125 : i32
        %mul3A_127 = arith.constant 80 : i32
        %mul3A_128 = arith.muli %add3A_126, %mul3A_127 : i32
        %add3A_129 = arith.addi %mul3A_4, %mul3A_128 : i32
        %run_scoped3A_130 = arith.constant 2 : i32
        "tpu.region"() ({
          %run_scoped3A_139 = tpu.sem_alloc : memref<!tpu.dma_semaphore, #tpu.memory_space<semaphore_mem>>
          %dma_start3A_140 = arith.constant 0 : i32
          %dma_start3A_141 = tpu.memref_slice %arg7[%run_scoped3A_130, %dma_start3A_140] : memref<4x80xi32, #tpu.memory_space<vmem>> -> memref<1x80xi32, #tpu.memory_space<vmem>>
          %dma_start3A_142 = tpu.memref_squeeze %dma_start3A_141 : memref<1x80xi32, #tpu.memory_space<vmem>> -> memref<80xi32, #tpu.memory_space<vmem>>
          %dma_start3A_143 = tpu.memref_slice %arg3[%add3A_129] : memref<320000xi32, #tpu.memory_space<hbm>> -> memref<80xi32, #tpu.memory_space<hbm>>
          %dma_start3A_144 = arith.constant 0 : i32
          %dma_start3A_145 = tpu.memref_slice %arg7[%run_scoped3A_130, %dma_start3A_144] : memref<4x80xi32, #tpu.memory_space<vmem>> -> memref<1x80xi32, #tpu.memory_space<vmem>>
          %dma_start3A_146 = tpu.memref_squeeze %dma_start3A_145 : memref<1x80xi32, #tpu.memory_space<vmem>> -> memref<80xi32, #tpu.memory_space<vmem>>
          %dma_start3A_147 = tpu.memref_slice %arg3[%add3A_129] : memref<320000xi32, #tpu.memory_space<hbm>> -> memref<80xi32, #tpu.memory_space<hbm>>
          tpu.enqueue_dma source(%dma_start3A_147 : memref<80xi32, #tpu.memory_space<hbm>>) target(%dma_start3A_146 : memref<80xi32, #tpu.memory_space<vmem>>) target_semaphore(%run_scoped3A_139 : memref<!tpu.dma_semaphore, #tpu.memory_space<semaphore_mem>>)
          %dma_wait3A = arith.constant 0 : i32
          %dma_wait3A_148 = tpu.memref_slice %arg7[%run_scoped3A_130, %dma_wait3A] : memref<4x80xi32, #tpu.memory_space<vmem>> -> memref<1x80xi32, #tpu.memory_space<vmem>>
          %dma_wait3A_149 = tpu.memref_squeeze %dma_wait3A_148 : memref<1x80xi32, #tpu.memory_space<vmem>> -> memref<80xi32, #tpu.memory_space<vmem>>
          %dma_wait3A_150 = tpu.memref_slice %arg3[%add3A_129] : memref<320000xi32, #tpu.memory_space<hbm>> -> memref<80xi32, #tpu.memory_space<hbm>>
          %dma_wait3A_151 = arith.constant 0 : i32
          %dma_wait3A_152 = tpu.memref_slice %arg7[%run_scoped3A_130, %dma_wait3A_151] : memref<4x80xi32, #tpu.memory_space<vmem>> -> memref<1x80xi32, #tpu.memory_space<vmem>>
          %dma_wait3A_153 = tpu.memref_squeeze %dma_wait3A_152 : memref<1x80xi32, #tpu.memory_space<vmem>> -> memref<80xi32, #tpu.memory_space<vmem>>
          %dma_wait3A_154 = tpu.memref_slice %arg3[%add3A_129] : memref<320000xi32, #tpu.memory_space<hbm>> -> memref<80xi32, #tpu.memory_space<hbm>>
          tpu.wait_dma2 semaphore(%run_scoped3A_139 : memref<!tpu.dma_semaphore, #tpu.memory_space<semaphore_mem>>) src(%dma_wait3A_154 : memref<80xi32, #tpu.memory_space<hbm>>) dst(%dma_wait3A_153 : memref<80xi32, #tpu.memory_space<vmem>>)
          tpu.yield
        }) : () -> ()
        %run_scoped3A_131 = arith.constant 2 : i32
        "tpu.region"() ({
          %run_scoped3A_139 = tpu.sem_alloc : memref<!tpu.dma_semaphore, #tpu.memory_space<semaphore_mem>>
          %dma_start3A_140 = arith.constant 0 : i32
          %dma_start3A_141 = tpu.memref_slice %arg8[%run_scoped3A_131, %dma_start3A_140] : memref<4x80xi32, #tpu.memory_space<vmem>> -> memref<1x80xi32, #tpu.memory_space<vmem>>
          %dma_start3A_142 = tpu.memref_squeeze %dma_start3A_141 : memref<1x80xi32, #tpu.memory_space<vmem>> -> memref<80xi32, #tpu.memory_space<vmem>>
          %dma_start3A_143 = tpu.memref_slice %arg4[%add3A_129] : memref<320000xi32, #tpu.memory_space<hbm>> -> memref<80xi32, #tpu.memory_space<hbm>>
          %dma_start3A_144 = arith.constant 0 : i32
          %dma_start3A_145 = tpu.memref_slice %arg8[%run_scoped3A_131, %dma_start3A_144] : memref<4x80xi32, #tpu.memory_space<vmem>> -> memref<1x80xi32, #tpu.memory_space<vmem>>
          %dma_start3A_146 = tpu.memref_squeeze %dma_start3A_145 : memref<1x80xi32, #tpu.memory_space<vmem>> -> memref<80xi32, #tpu.memory_space<vmem>>
          %dma_start3A_147 = tpu.memref_slice %arg4[%add3A_129] : memref<320000xi32, #tpu.memory_space<hbm>> -> memref<80xi32, #tpu.memory_space<hbm>>
          tpu.enqueue_dma source(%dma_start3A_147 : memref<80xi32, #tpu.memory_space<hbm>>) target(%dma_start3A_146 : memref<80xi32, #tpu.memory_space<vmem>>) target_semaphore(%run_scoped3A_139 : memref<!tpu.dma_semaphore, #tpu.memory_space<semaphore_mem>>)
          %dma_wait3A = arith.constant 0 : i32
          %dma_wait3A_148 = tpu.memref_slice %arg8[%run_scoped3A_131, %dma_wait3A] : memref<4x80xi32, #tpu.memory_space<vmem>> -> memref<1x80xi32, #tpu.memory_space<vmem>>
          %dma_wait3A_149 = tpu.memref_squeeze %dma_wait3A_148 : memref<1x80xi32, #tpu.memory_space<vmem>> -> memref<80xi32, #tpu.memory_space<vmem>>
          %dma_wait3A_150 = tpu.memref_slice %arg4[%add3A_129] : memref<320000xi32, #tpu.memory_space<hbm>> -> memref<80xi32, #tpu.memory_space<hbm>>
          %dma_wait3A_151 = arith.constant 0 : i32
          %dma_wait3A_152 = tpu.memref_slice %arg8[%run_scoped3A_131, %dma_wait3A_151] : memref<4x80xi32, #tpu.memory_space<vmem>> -> memref<1x80xi32, #tpu.memory_space<vmem>>
          %dma_wait3A_153 = tpu.memref_squeeze %dma_wait3A_152 : memref<1x80xi32, #tpu.memory_space<vmem>> -> memref<80xi32, #tpu.memory_space<vmem>>
          %dma_wait3A_154 = tpu.memref_slice %arg4[%add3A_129] : memref<320000xi32, #tpu.memory_space<hbm>> -> memref<80xi32, #tpu.memory_space<hbm>>
          tpu.wait_dma2 semaphore(%run_scoped3A_139 : memref<!tpu.dma_semaphore, #tpu.memory_space<semaphore_mem>>) src(%dma_wait3A_154 : memref<80xi32, #tpu.memory_space<hbm>>) dst(%dma_wait3A_153 : memref<80xi32, #tpu.memory_space<vmem>>)
          tpu.yield
        }) : () -> ()
        %dma_start3A_132 = arith.constant 2 : i32
        %dma_start3A_133 = arith.constant 0 : i32
        %dma_start3A_134 = tpu.memref_slice %arg7[%dma_start3A_132, %dma_start3A_133] : memref<4x80xi32, #tpu.memory_space<vmem>> -> memref<1x80xi32, #tpu.memory_space<vmem>>
        %dma_start3A_135 = tpu.memref_squeeze %dma_start3A_134 : memref<1x80xi32, #tpu.memory_space<vmem>> -> memref<80xi32, #tpu.memory_space<vmem>>
        %dma_start3A_136 = arith.constant 0 : i32
        %dma_start3A_137 = arith.constant 0 : i32
        %dma_start3A_138 = tpu.memref_slice %arg2[%dma_start3A_136, %dma_start3A_137] : memref<10000x128xf32, #tpu.memory_space<hbm>> -> memref<10000x128xf32, #tpu.memory_space<hbm>>
        tpu.enqueue_indirect_dma source(%dma_start3A_138 : memref<10000x128xf32, #tpu.memory_space<hbm>>) target(%arg11 : memref<80x128xf32, #tpu.memory_space<vmem>>) offsets(%dma_start3A_135 : memref<80xi32, #tpu.memory_space<vmem>>) semaphore(%arg16 : memref<!tpu.dma_semaphore, #tpu.memory_space<semaphore_mem>>)
      } else {
      }
      %le3A_48 = arith.constant 124 : i32
      %le3A_49 = arith.cmpi sle, %add3A_37, %le3A_48 : i32
      %convert_element_type3A_50 = arith.extui %le3A_49 : i1 to i32
      %cond3A_51 = arith.constant 0 : i32
      %cond3A_52 = arith.cmpi ne, %convert_element_type3A_50, %cond3A_51 : i32
      scf.if %cond3A_52 {
        %dma_wait3A = arith.constant 0 : i32
        %dma_wait3A_125 = arith.constant 0 : i32
        %dma_wait3A_126 = tpu.memref_slice %arg7[%dma_wait3A, %dma_wait3A_125] : memref<4x80xi32, #tpu.memory_space<vmem>> -> memref<1x80xi32, #tpu.memory_space<vmem>>
        %dma_wait3A_127 = tpu.memref_squeeze %dma_wait3A_126 : memref<1x80xi32, #tpu.memory_space<vmem>> -> memref<80xi32, #tpu.memory_space<vmem>>
        %dma_wait3A_128 = arith.constant 0 : i32
        %dma_wait3A_129 = arith.constant 0 : i32
        %dma_wait3A_130 = tpu.memref_slice %arg2[%dma_wait3A_128, %dma_wait3A_129] : memref<10000x128xf32, #tpu.memory_space<hbm>> -> memref<10000x128xf32, #tpu.memory_space<hbm>>
        tpu.wait_indirect_dma semaphore(%arg14 : memref<!tpu.dma_semaphore, #tpu.memory_space<semaphore_mem>>) src(%dma_wait3A_130 : memref<10000x128xf32, #tpu.memory_space<hbm>>) dst(%arg9 : memref<80x128xf32, #tpu.memory_space<vmem>>)
        %dma_start3A_131 = arith.constant 0 : i32
        %dma_start3A_132 = arith.constant 0 : i32
        %dma_start3A_133 = tpu.memref_slice %arg8[%dma_start3A_131, %dma_start3A_132] : memref<4x80xi32, #tpu.memory_space<vmem>> -> memref<1x80xi32, #tpu.memory_space<vmem>>
        %dma_start3A_134 = tpu.memref_squeeze %dma_start3A_133 : memref<1x80xi32, #tpu.memory_space<vmem>> -> memref<80xi32, #tpu.memory_space<vmem>>
        %dma_start3A_135 = arith.constant 0 : i32
        %dma_start3A_136 = arith.constant 0 : i32
        %dma_start3A_137 = tpu.memref_slice %arg13[%dma_start3A_135, %dma_start3A_136] : memref<10000x128xf32, #tpu.memory_space<vmem_shared>> -> memref<10000x128xf32, #tpu.memory_space<vmem_shared>>
        tpu.enqueue_indirect_dma source(%arg9 : memref<80x128xf32, #tpu.memory_space<vmem>>) target(%dma_start3A_137 : memref<10000x128xf32, #tpu.memory_space<vmem_shared>>) offsets(%dma_start3A_134 : memref<80xi32, #tpu.memory_space<vmem>>) semaphore(%arg18 : memref<!tpu.dma_semaphore, #tpu.memory_space<semaphore_mem>>) {add = true}
      } else {
      }
      %mul3A_53 = arith.constant 4 : i32
      %mul3A_54 = arith.muli %mul3A_53, %scan3A_33 : i32
      %add3A_55 = arith.constant 1 : i32
      %add3A_56 = arith.addi %mul3A_54, %add3A_55 : i32
      %ge3A_57 = arith.constant 2 : i32
      %ge3A_58 = arith.cmpi sge, %add3A_56, %ge3A_57 : i32
      %le3A_59 = arith.constant 126 : i32
      %le3A_60 = arith.cmpi sle, %add3A_56, %le3A_59 : i32
      %and3A_61 = arith.andi %ge3A_58, %le3A_60 : i1
      %convert_element_type3A_62 = arith.extui %and3A_61 : i1 to i32
      %cond3A_63 = arith.constant 0 : i32
      %cond3A_64 = arith.cmpi ne, %convert_element_type3A_62, %cond3A_63 : i32
      scf.if %cond3A_64 {
        %dma_wait3A = arith.constant 3 : i32
        %dma_wait3A_125 = arith.constant 0 : i32
        %dma_wait3A_126 = tpu.memref_slice %arg8[%dma_wait3A, %dma_wait3A_125] : memref<4x80xi32, #tpu.memory_space<vmem>> -> memref<1x80xi32, #tpu.memory_space<vmem>>
        %dma_wait3A_127 = tpu.memref_squeeze %dma_wait3A_126 : memref<1x80xi32, #tpu.memory_space<vmem>> -> memref<80xi32, #tpu.memory_space<vmem>>
        %dma_wait3A_128 = arith.constant 0 : i32
        %dma_wait3A_129 = arith.constant 0 : i32
        %dma_wait3A_130 = tpu.memref_slice %arg13[%dma_wait3A_128, %dma_wait3A_129] : memref<10000x128xf32, #tpu.memory_space<vmem_shared>> -> memref<10000x128xf32, #tpu.memory_space<vmem_shared>>
        tpu.wait_indirect_dma semaphore(%arg21 : memref<!tpu.dma_semaphore, #tpu.memory_space<semaphore_mem>>) src(%arg12 : memref<80x128xf32, #tpu.memory_space<vmem>>) dst(%dma_wait3A_130 : memref<10000x128xf32, #tpu.memory_space<vmem_shared>>)
      } else {
      }
      %add3A_65 = arith.constant 2 : i32
      %add3A_66 = arith.addi %add3A_56, %add3A_65 : i32
      %le3A_67 = arith.constant 124 : i32
      %le3A_68 = arith.cmpi sle, %add3A_66, %le3A_67 : i32
      %convert_element_type3A_69 = arith.extui %le3A_68 : i1 to i32
      %cond3A_70 = arith.constant 0 : i32
      %cond3A_71 = arith.cmpi ne, %convert_element_type3A_69, %cond3A_70 : i32
      scf.if %cond3A_71 {
        %add3A_125 = arith.constant 2 : i32
        %add3A_126 = arith.addi %add3A_56, %add3A_125 : i32
        %mul3A_127 = arith.constant 80 : i32
        %mul3A_128 = arith.muli %add3A_126, %mul3A_127 : i32
        %add3A_129 = arith.addi %mul3A_4, %mul3A_128 : i32
        %run_scoped3A_130 = arith.constant 3 : i32
        "tpu.region"() ({
          %run_scoped3A_139 = tpu.sem_alloc : memref<!tpu.dma_semaphore, #tpu.memory_space<semaphore_mem>>
          %dma_start3A_140 = arith.constant 0 : i32
          %dma_start3A_141 = tpu.memref_slice %arg7[%run_scoped3A_130, %dma_start3A_140] : memref<4x80xi32, #tpu.memory_space<vmem>> -> memref<1x80xi32, #tpu.memory_space<vmem>>
          %dma_start3A_142 = tpu.memref_squeeze %dma_start3A_141 : memref<1x80xi32, #tpu.memory_space<vmem>> -> memref<80xi32, #tpu.memory_space<vmem>>
          %dma_start3A_143 = tpu.memref_slice %arg3[%add3A_129] : memref<320000xi32, #tpu.memory_space<hbm>> -> memref<80xi32, #tpu.memory_space<hbm>>
          %dma_start3A_144 = arith.constant 0 : i32
          %dma_start3A_145 = tpu.memref_slice %arg7[%run_scoped3A_130, %dma_start3A_144] : memref<4x80xi32, #tpu.memory_space<vmem>> -> memref<1x80xi32, #tpu.memory_space<vmem>>
          %dma_start3A_146 = tpu.memref_squeeze %dma_start3A_145 : memref<1x80xi32, #tpu.memory_space<vmem>> -> memref<80xi32, #tpu.memory_space<vmem>>
          %dma_start3A_147 = tpu.memref_slice %arg3[%add3A_129] : memref<320000xi32, #tpu.memory_space<hbm>> -> memref<80xi32, #tpu.memory_space<hbm>>
          tpu.enqueue_dma source(%dma_start3A_147 : memref<80xi32, #tpu.memory_space<hbm>>) target(%dma_start3A_146 : memref<80xi32, #tpu.memory_space<vmem>>) target_semaphore(%run_scoped3A_139 : memref<!tpu.dma_semaphore, #tpu.memory_space<semaphore_mem>>)
          %dma_wait3A = arith.constant 0 : i32
          %dma_wait3A_148 = tpu.memref_slice %arg7[%run_scoped3A_130, %dma_wait3A] : memref<4x80xi32, #tpu.memory_space<vmem>> -> memref<1x80xi32, #tpu.memory_space<vmem>>
          %dma_wait3A_149 = tpu.memref_squeeze %dma_wait3A_148 : memref<1x80xi32, #tpu.memory_space<vmem>> -> memref<80xi32, #tpu.memory_space<vmem>>
          %dma_wait3A_150 = tpu.memref_slice %arg3[%add3A_129] : memref<320000xi32, #tpu.memory_space<hbm>> -> memref<80xi32, #tpu.memory_space<hbm>>
          %dma_wait3A_151 = arith.constant 0 : i32
          %dma_wait3A_152 = tpu.memref_slice %arg7[%run_scoped3A_130, %dma_wait3A_151] : memref<4x80xi32, #tpu.memory_space<vmem>> -> memref<1x80xi32, #tpu.memory_space<vmem>>
          %dma_wait3A_153 = tpu.memref_squeeze %dma_wait3A_152 : memref<1x80xi32, #tpu.memory_space<vmem>> -> memref<80xi32, #tpu.memory_space<vmem>>
          %dma_wait3A_154 = tpu.memref_slice %arg3[%add3A_129] : memref<320000xi32, #tpu.memory_space<hbm>> -> memref<80xi32, #tpu.memory_space<hbm>>
          tpu.wait_dma2 semaphore(%run_scoped3A_139 : memref<!tpu.dma_semaphore, #tpu.memory_space<semaphore_mem>>) src(%dma_wait3A_154 : memref<80xi32, #tpu.memory_space<hbm>>) dst(%dma_wait3A_153 : memref<80xi32, #tpu.memory_space<vmem>>)
          tpu.yield
        }) : () -> ()
        %run_scoped3A_131 = arith.constant 3 : i32
        "tpu.region"() ({
          %run_scoped3A_139 = tpu.sem_alloc : memref<!tpu.dma_semaphore, #tpu.memory_space<semaphore_mem>>
          %dma_start3A_140 = arith.constant 0 : i32
          %dma_start3A_141 = tpu.memref_slice %arg8[%run_scoped3A_131, %dma_start3A_140] : memref<4x80xi32, #tpu.memory_space<vmem>> -> memref<1x80xi32, #tpu.memory_space<vmem>>
          %dma_start3A_142 = tpu.memref_squeeze %dma_start3A_141 : memref<1x80xi32, #tpu.memory_space<vmem>> -> memref<80xi32, #tpu.memory_space<vmem>>
          %dma_start3A_143 = tpu.memref_slice %arg4[%add3A_129] : memref<320000xi32, #tpu.memory_space<hbm>> -> memref<80xi32, #tpu.memory_space<hbm>>
          %dma_start3A_144 = arith.constant 0 : i32
          %dma_start3A_145 = tpu.memref_slice %arg8[%run_scoped3A_131, %dma_start3A_144] : memref<4x80xi32, #tpu.memory_space<vmem>> -> memref<1x80xi32, #tpu.memory_space<vmem>>
          %dma_start3A_146 = tpu.memref_squeeze %dma_start3A_145 : memref<1x80xi32, #tpu.memory_space<vmem>> -> memref<80xi32, #tpu.memory_space<vmem>>
          %dma_start3A_147 = tpu.memref_slice %arg4[%add3A_129] : memref<320000xi32, #tpu.memory_space<hbm>> -> memref<80xi32, #tpu.memory_space<hbm>>
          tpu.enqueue_dma source(%dma_start3A_147 : memref<80xi32, #tpu.memory_space<hbm>>) target(%dma_start3A_146 : memref<80xi32, #tpu.memory_space<vmem>>) target_semaphore(%run_scoped3A_139 : memref<!tpu.dma_semaphore, #tpu.memory_space<semaphore_mem>>)
          %dma_wait3A = arith.constant 0 : i32
          %dma_wait3A_148 = tpu.memref_slice %arg8[%run_scoped3A_131, %dma_wait3A] : memref<4x80xi32, #tpu.memory_space<vmem>> -> memref<1x80xi32, #tpu.memory_space<vmem>>
          %dma_wait3A_149 = tpu.memref_squeeze %dma_wait3A_148 : memref<1x80xi32, #tpu.memory_space<vmem>> -> memref<80xi32, #tpu.memory_space<vmem>>
          %dma_wait3A_150 = tpu.memref_slice %arg4[%add3A_129] : memref<320000xi32, #tpu.memory_space<hbm>> -> memref<80xi32, #tpu.memory_space<hbm>>
          %dma_wait3A_151 = arith.constant 0 : i32
          %dma_wait3A_152 = tpu.memref_slice %arg8[%run_scoped3A_131, %dma_wait3A_151] : memref<4x80xi32, #tpu.memory_space<vmem>> -> memref<1x80xi32, #tpu.memory_space<vmem>>
          %dma_wait3A_153 = tpu.memref_squeeze %dma_wait3A_152 : memref<1x80xi32, #tpu.memory_space<vmem>> -> memref<80xi32, #tpu.memory_space<vmem>>
          %dma_wait3A_154 = tpu.memref_slice %arg4[%add3A_129] : memref<320000xi32, #tpu.memory_space<hbm>> -> memref<80xi32, #tpu.memory_space<hbm>>
          tpu.wait_dma2 semaphore(%run_scoped3A_139 : memref<!tpu.dma_semaphore, #tpu.memory_space<semaphore_mem>>) src(%dma_wait3A_154 : memref<80xi32, #tpu.memory_space<hbm>>) dst(%dma_wait3A_153 : memref<80xi32, #tpu.memory_space<vmem>>)
          tpu.yield
        }) : () -> ()
        %dma_start3A_132 = arith.constant 3 : i32
        %dma_start3A_133 = arith.constant 0 : i32
        %dma_start3A_134 = tpu.memref_slice %arg7[%dma_start3A_132, %dma_start3A_133] : memref<4x80xi32, #tpu.memory_space<vmem>> -> memref<1x80xi32, #tpu.memory_space<vmem>>
        %dma_start3A_135 = tpu.memref_squeeze %dma_start3A_134 : memref<1x80xi32, #tpu.memory_space<vmem>> -> memref<80xi32, #tpu.memory_space<vmem>>
        %dma_start3A_136 = arith.constant 0 : i32
        %dma_start3A_137 = arith.constant 0 : i32
        %dma_start3A_138 = tpu.memref_slice %arg2[%dma_start3A_136, %dma_start3A_137] : memref<10000x128xf32, #tpu.memory_space<hbm>> -> memref<10000x128xf32, #tpu.memory_space<hbm>>
        tpu.enqueue_indirect_dma source(%dma_start3A_138 : memref<10000x128xf32, #tpu.memory_space<hbm>>) target(%arg12 : memref<80x128xf32, #tpu.memory_space<vmem>>) offsets(%dma_start3A_135 : memref<80xi32, #tpu.memory_space<vmem>>) semaphore(%arg17 : memref<!tpu.dma_semaphore, #tpu.memory_space<semaphore_mem>>)
      } else {
      }
      %le3A_72 = arith.constant 124 : i32
      %le3A_73 = arith.cmpi sle, %add3A_56, %le3A_72 : i32
      %convert_element_type3A_74 = arith.extui %le3A_73 : i1 to i32
      %cond3A_75 = arith.constant 0 : i32
      %cond3A_76 = arith.cmpi ne, %convert_element_type3A_74, %cond3A_75 : i32
      scf.if %cond3A_76 {
        %dma_wait3A = arith.constant 1 : i32
        %dma_wait3A_125 = arith.constant 0 : i32
        %dma_wait3A_126 = tpu.memref_slice %arg7[%dma_wait3A, %dma_wait3A_125] : memref<4x80xi32, #tpu.memory_space<vmem>> -> memref<1x80xi32, #tpu.memory_space<vmem>>
        %dma_wait3A_127 = tpu.memref_squeeze %dma_wait3A_126 : memref<1x80xi32, #tpu.memory_space<vmem>> -> memref<80xi32, #tpu.memory_space<vmem>>
        %dma_wait3A_128 = arith.constant 0 : i32
        %dma_wait3A_129 = arith.constant 0 : i32
        %dma_wait3A_130 = tpu.memref_slice %arg2[%dma_wait3A_128, %dma_wait3A_129] : memref<10000x128xf32, #tpu.memory_space<hbm>> -> memref<10000x128xf32, #tpu.memory_space<hbm>>
        tpu.wait_indirect_dma semaphore(%arg15 : memref<!tpu.dma_semaphore, #tpu.memory_space<semaphore_mem>>) src(%dma_wait3A_130 : memref<10000x128xf32, #tpu.memory_space<hbm>>) dst(%arg10 : memref<80x128xf32, #tpu.memory_space<vmem>>)
        %dma_start3A_131 = arith.constant 1 : i32
        %dma_start3A_132 = arith.constant 0 : i32
        %dma_start3A_133 = tpu.memref_slice %arg8[%dma_start3A_131, %dma_start3A_132] : memref<4x80xi32, #tpu.memory_space<vmem>> -> memref<1x80xi32, #tpu.memory_space<vmem>>
        %dma_start3A_134 = tpu.memref_squeeze %dma_start3A_133 : memref<1x80xi32, #tpu.memory_space<vmem>> -> memref<80xi32, #tpu.memory_space<vmem>>
        %dma_start3A_135 = arith.constant 0 : i32
        %dma_start3A_136 = arith.constant 0 : i32
        %dma_start3A_137 = tpu.memref_slice %arg13[%dma_start3A_135, %dma_start3A_136] : memref<10000x128xf32, #tpu.memory_space<vmem_shared>> -> memref<10000x128xf32, #tpu.memory_space<vmem_shared>>
        tpu.enqueue_indirect_dma source(%arg10 : memref<80x128xf32, #tpu.memory_space<vmem>>) target(%dma_start3A_137 : memref<10000x128xf32, #tpu.memory_space<vmem_shared>>) offsets(%dma_start3A_134 : memref<80xi32, #tpu.memory_space<vmem>>) semaphore(%arg19 : memref<!tpu.dma_semaphore, #tpu.memory_space<semaphore_mem>>) {add = true}
      } else {
      }
      %mul3A_77 = arith.constant 4 : i32
      %mul3A_78 = arith.muli %mul3A_77, %scan3A_33 : i32
      %add3A_79 = arith.constant 2 : i32
      %add3A_80 = arith.addi %mul3A_78, %add3A_79 : i32
      %ge3A_81 = arith.constant 2 : i32
      %ge3A_82 = arith.cmpi sge, %add3A_80, %ge3A_81 : i32
      %le3A_83 = arith.constant 126 : i32
      %le3A_84 = arith.cmpi sle, %add3A_80, %le3A_83 : i32
      %and3A_85 = arith.andi %ge3A_82, %le3A_84 : i1
      %convert_element_type3A_86 = arith.extui %and3A_85 : i1 to i32
      %cond3A_87 = arith.constant 0 : i32
      %cond3A_88 = arith.cmpi ne, %convert_element_type3A_86, %cond3A_87 : i32
      scf.if %cond3A_88 {
        %dma_wait3A = arith.constant 0 : i32
        %dma_wait3A_125 = arith.constant 0 : i32
        %dma_wait3A_126 = tpu.memref_slice %arg8[%dma_wait3A, %dma_wait3A_125] : memref<4x80xi32, #tpu.memory_space<vmem>> -> memref<1x80xi32, #tpu.memory_space<vmem>>
        %dma_wait3A_127 = tpu.memref_squeeze %dma_wait3A_126 : memref<1x80xi32, #tpu.memory_space<vmem>> -> memref<80xi32, #tpu.memory_space<vmem>>
        %dma_wait3A_128 = arith.constant 0 : i32
        %dma_wait3A_129 = arith.constant 0 : i32
        %dma_wait3A_130 = tpu.memref_slice %arg13[%dma_wait3A_128, %dma_wait3A_129] : memref<10000x128xf32, #tpu.memory_space<vmem_shared>> -> memref<10000x128xf32, #tpu.memory_space<vmem_shared>>
        tpu.wait_indirect_dma semaphore(%arg18 : memref<!tpu.dma_semaphore, #tpu.memory_space<semaphore_mem>>) src(%arg9 : memref<80x128xf32, #tpu.memory_space<vmem>>) dst(%dma_wait3A_130 : memref<10000x128xf32, #tpu.memory_space<vmem_shared>>)
      } else {
      }
      %add3A_89 = arith.constant 2 : i32
      %add3A_90 = arith.addi %add3A_80, %add3A_89 : i32
      %le3A_91 = arith.constant 124 : i32
      %le3A_92 = arith.cmpi sle, %add3A_90, %le3A_91 : i32
      %convert_element_type3A_93 = arith.extui %le3A_92 : i1 to i32
      %cond3A_94 = arith.constant 0 : i32
      %cond3A_95 = arith.cmpi ne, %convert_element_type3A_93, %cond3A_94 : i32
      scf.if %cond3A_95 {
        %add3A_125 = arith.constant 2 : i32
        %add3A_126 = arith.addi %add3A_80, %add3A_125 : i32
        %mul3A_127 = arith.constant 80 : i32
        %mul3A_128 = arith.muli %add3A_126, %mul3A_127 : i32
        %add3A_129 = arith.addi %mul3A_4, %mul3A_128 : i32
        %run_scoped3A_130 = arith.constant 0 : i32
        "tpu.region"() ({
          %run_scoped3A_139 = tpu.sem_alloc : memref<!tpu.dma_semaphore, #tpu.memory_space<semaphore_mem>>
          %dma_start3A_140 = arith.constant 0 : i32
          %dma_start3A_141 = tpu.memref_slice %arg7[%run_scoped3A_130, %dma_start3A_140] : memref<4x80xi32, #tpu.memory_space<vmem>> -> memref<1x80xi32, #tpu.memory_space<vmem>>
          %dma_start3A_142 = tpu.memref_squeeze %dma_start3A_141 : memref<1x80xi32, #tpu.memory_space<vmem>> -> memref<80xi32, #tpu.memory_space<vmem>>
          %dma_start3A_143 = tpu.memref_slice %arg3[%add3A_129] : memref<320000xi32, #tpu.memory_space<hbm>> -> memref<80xi32, #tpu.memory_space<hbm>>
          %dma_start3A_144 = arith.constant 0 : i32
          %dma_start3A_145 = tpu.memref_slice %arg7[%run_scoped3A_130, %dma_start3A_144] : memref<4x80xi32, #tpu.memory_space<vmem>> -> memref<1x80xi32, #tpu.memory_space<vmem>>
          %dma_start3A_146 = tpu.memref_squeeze %dma_start3A_145 : memref<1x80xi32, #tpu.memory_space<vmem>> -> memref<80xi32, #tpu.memory_space<vmem>>
          %dma_start3A_147 = tpu.memref_slice %arg3[%add3A_129] : memref<320000xi32, #tpu.memory_space<hbm>> -> memref<80xi32, #tpu.memory_space<hbm>>
          tpu.enqueue_dma source(%dma_start3A_147 : memref<80xi32, #tpu.memory_space<hbm>>) target(%dma_start3A_146 : memref<80xi32, #tpu.memory_space<vmem>>) target_semaphore(%run_scoped3A_139 : memref<!tpu.dma_semaphore, #tpu.memory_space<semaphore_mem>>)
          %dma_wait3A = arith.constant 0 : i32
          %dma_wait3A_148 = tpu.memref_slice %arg7[%run_scoped3A_130, %dma_wait3A] : memref<4x80xi32, #tpu.memory_space<vmem>> -> memref<1x80xi32, #tpu.memory_space<vmem>>
          %dma_wait3A_149 = tpu.memref_squeeze %dma_wait3A_148 : memref<1x80xi32, #tpu.memory_space<vmem>> -> memref<80xi32, #tpu.memory_space<vmem>>
          %dma_wait3A_150 = tpu.memref_slice %arg3[%add3A_129] : memref<320000xi32, #tpu.memory_space<hbm>> -> memref<80xi32, #tpu.memory_space<hbm>>
          %dma_wait3A_151 = arith.constant 0 : i32
          %dma_wait3A_152 = tpu.memref_slice %arg7[%run_scoped3A_130, %dma_wait3A_151] : memref<4x80xi32, #tpu.memory_space<vmem>> -> memref<1x80xi32, #tpu.memory_space<vmem>>
          %dma_wait3A_153 = tpu.memref_squeeze %dma_wait3A_152 : memref<1x80xi32, #tpu.memory_space<vmem>> -> memref<80xi32, #tpu.memory_space<vmem>>
          %dma_wait3A_154 = tpu.memref_slice %arg3[%add3A_129] : memref<320000xi32, #tpu.memory_space<hbm>> -> memref<80xi32, #tpu.memory_space<hbm>>
          tpu.wait_dma2 semaphore(%run_scoped3A_139 : memref<!tpu.dma_semaphore, #tpu.memory_space<semaphore_mem>>) src(%dma_wait3A_154 : memref<80xi32, #tpu.memory_space<hbm>>) dst(%dma_wait3A_153 : memref<80xi32, #tpu.memory_space<vmem>>)
          tpu.yield
        }) : () -> ()
        %run_scoped3A_131 = arith.constant 0 : i32
        "tpu.region"() ({
          %run_scoped3A_139 = tpu.sem_alloc : memref<!tpu.dma_semaphore, #tpu.memory_space<semaphore_mem>>
          %dma_start3A_140 = arith.constant 0 : i32
          %dma_start3A_141 = tpu.memref_slice %arg8[%run_scoped3A_131, %dma_start3A_140] : memref<4x80xi32, #tpu.memory_space<vmem>> -> memref<1x80xi32, #tpu.memory_space<vmem>>
          %dma_start3A_142 = tpu.memref_squeeze %dma_start3A_141 : memref<1x80xi32, #tpu.memory_space<vmem>> -> memref<80xi32, #tpu.memory_space<vmem>>
          %dma_start3A_143 = tpu.memref_slice %arg4[%add3A_129] : memref<320000xi32, #tpu.memory_space<hbm>> -> memref<80xi32, #tpu.memory_space<hbm>>
          %dma_start3A_144 = arith.constant 0 : i32
          %dma_start3A_145 = tpu.memref_slice %arg8[%run_scoped3A_131, %dma_start3A_144] : memref<4x80xi32, #tpu.memory_space<vmem>> -> memref<1x80xi32, #tpu.memory_space<vmem>>
          %dma_start3A_146 = tpu.memref_squeeze %dma_start3A_145 : memref<1x80xi32, #tpu.memory_space<vmem>> -> memref<80xi32, #tpu.memory_space<vmem>>
          %dma_start3A_147 = tpu.memref_slice %arg4[%add3A_129] : memref<320000xi32, #tpu.memory_space<hbm>> -> memref<80xi32, #tpu.memory_space<hbm>>
          tpu.enqueue_dma source(%dma_start3A_147 : memref<80xi32, #tpu.memory_space<hbm>>) target(%dma_start3A_146 : memref<80xi32, #tpu.memory_space<vmem>>) target_semaphore(%run_scoped3A_139 : memref<!tpu.dma_semaphore, #tpu.memory_space<semaphore_mem>>)
          %dma_wait3A = arith.constant 0 : i32
          %dma_wait3A_148 = tpu.memref_slice %arg8[%run_scoped3A_131, %dma_wait3A] : memref<4x80xi32, #tpu.memory_space<vmem>> -> memref<1x80xi32, #tpu.memory_space<vmem>>
          %dma_wait3A_149 = tpu.memref_squeeze %dma_wait3A_148 : memref<1x80xi32, #tpu.memory_space<vmem>> -> memref<80xi32, #tpu.memory_space<vmem>>
          %dma_wait3A_150 = tpu.memref_slice %arg4[%add3A_129] : memref<320000xi32, #tpu.memory_space<hbm>> -> memref<80xi32, #tpu.memory_space<hbm>>
          %dma_wait3A_151 = arith.constant 0 : i32
          %dma_wait3A_152 = tpu.memref_slice %arg8[%run_scoped3A_131, %dma_wait3A_151] : memref<4x80xi32, #tpu.memory_space<vmem>> -> memref<1x80xi32, #tpu.memory_space<vmem>>
          %dma_wait3A_153 = tpu.memref_squeeze %dma_wait3A_152 : memref<1x80xi32, #tpu.memory_space<vmem>> -> memref<80xi32, #tpu.memory_space<vmem>>
          %dma_wait3A_154 = tpu.memref_slice %arg4[%add3A_129] : memref<320000xi32, #tpu.memory_space<hbm>> -> memref<80xi32, #tpu.memory_space<hbm>>
          tpu.wait_dma2 semaphore(%run_scoped3A_139 : memref<!tpu.dma_semaphore, #tpu.memory_space<semaphore_mem>>) src(%dma_wait3A_154 : memref<80xi32, #tpu.memory_space<hbm>>) dst(%dma_wait3A_153 : memref<80xi32, #tpu.memory_space<vmem>>)
          tpu.yield
        }) : () -> ()
        %dma_start3A_132 = arith.constant 0 : i32
        %dma_start3A_133 = arith.constant 0 : i32
        %dma_start3A_134 = tpu.memref_slice %arg7[%dma_start3A_132, %dma_start3A_133] : memref<4x80xi32, #tpu.memory_space<vmem>> -> memref<1x80xi32, #tpu.memory_space<vmem>>
        %dma_start3A_135 = tpu.memref_squeeze %dma_start3A_134 : memref<1x80xi32, #tpu.memory_space<vmem>> -> memref<80xi32, #tpu.memory_space<vmem>>
        %dma_start3A_136 = arith.constant 0 : i32
        %dma_start3A_137 = arith.constant 0 : i32
        %dma_start3A_138 = tpu.memref_slice %arg2[%dma_start3A_136, %dma_start3A_137] : memref<10000x128xf32, #tpu.memory_space<hbm>> -> memref<10000x128xf32, #tpu.memory_space<hbm>>
        tpu.enqueue_indirect_dma source(%dma_start3A_138 : memref<10000x128xf32, #tpu.memory_space<hbm>>) target(%arg9 : memref<80x128xf32, #tpu.memory_space<vmem>>) offsets(%dma_start3A_135 : memref<80xi32, #tpu.memory_space<vmem>>) semaphore(%arg14 : memref<!tpu.dma_semaphore, #tpu.memory_space<semaphore_mem>>)
      } else {
      }
      %le3A_96 = arith.constant 124 : i32
      %le3A_97 = arith.cmpi sle, %add3A_80, %le3A_96 : i32
      %convert_element_type3A_98 = arith.extui %le3A_97 : i1 to i32
      %cond3A_99 = arith.constant 0 : i32
      %cond3A_100 = arith.cmpi ne, %convert_element_type3A_98, %cond3A_99 : i32
      scf.if %cond3A_100 {
        %dma_wait3A = arith.constant 2 : i32
        %dma_wait3A_125 = arith.constant 0 : i32
        %dma_wait3A_126 = tpu.memref_slice %arg7[%dma_wait3A, %dma_wait3A_125] : memref<4x80xi32, #tpu.memory_space<vmem>> -> memref<1x80xi32, #tpu.memory_space<vmem>>
        %dma_wait3A_127 = tpu.memref_squeeze %dma_wait3A_126 : memref<1x80xi32, #tpu.memory_space<vmem>> -> memref<80xi32, #tpu.memory_space<vmem>>
        %dma_wait3A_128 = arith.constant 0 : i32
        %dma_wait3A_129 = arith.constant 0 : i32
        %dma_wait3A_130 = tpu.memref_slice %arg2[%dma_wait3A_128, %dma_wait3A_129] : memref<10000x128xf32, #tpu.memory_space<hbm>> -> memref<10000x128xf32, #tpu.memory_space<hbm>>
        tpu.wait_indirect_dma semaphore(%arg16 : memref<!tpu.dma_semaphore, #tpu.memory_space<semaphore_mem>>) src(%dma_wait3A_130 : memref<10000x128xf32, #tpu.memory_space<hbm>>) dst(%arg11 : memref<80x128xf32, #tpu.memory_space<vmem>>)
        %dma_start3A_131 = arith.constant 2 : i32
        %dma_start3A_132 = arith.constant 0 : i32
        %dma_start3A_133 = tpu.memref_slice %arg8[%dma_start3A_131, %dma_start3A_132] : memref<4x80xi32, #tpu.memory_space<vmem>> -> memref<1x80xi32, #tpu.memory_space<vmem>>
        %dma_start3A_134 = tpu.memref_squeeze %dma_start3A_133 : memref<1x80xi32, #tpu.memory_space<vmem>> -> memref<80xi32, #tpu.memory_space<vmem>>
        %dma_start3A_135 = arith.constant 0 : i32
        %dma_start3A_136 = arith.constant 0 : i32
        %dma_start3A_137 = tpu.memref_slice %arg13[%dma_start3A_135, %dma_start3A_136] : memref<10000x128xf32, #tpu.memory_space<vmem_shared>> -> memref<10000x128xf32, #tpu.memory_space<vmem_shared>>
        tpu.enqueue_indirect_dma source(%arg11 : memref<80x128xf32, #tpu.memory_space<vmem>>) target(%dma_start3A_137 : memref<10000x128xf32, #tpu.memory_space<vmem_shared>>) offsets(%dma_start3A_134 : memref<80xi32, #tpu.memory_space<vmem>>) semaphore(%arg20 : memref<!tpu.dma_semaphore, #tpu.memory_space<semaphore_mem>>) {add = true}
      } else {
      }
      %mul3A_101 = arith.constant 4 : i32
      %mul3A_102 = arith.muli %mul3A_101, %scan3A_33 : i32
      %add3A_103 = arith.constant 3 : i32
      %add3A_104 = arith.addi %mul3A_102, %add3A_103 : i32
      %ge3A_105 = arith.constant 2 : i32
      %ge3A_106 = arith.cmpi sge, %add3A_104, %ge3A_105 : i32
      %le3A_107 = arith.constant 126 : i32
      %le3A_108 = arith.cmpi sle, %add3A_104, %le3A_107 : i32
      %and3A_109 = arith.andi %ge3A_106, %le3A_108 : i1
      %convert_element_type3A_110 = arith.extui %and3A_109 : i1 to i32
      %cond3A_111 = arith.constant 0 : i32
      %cond3A_112 = arith.cmpi ne, %convert_element_type3A_110, %cond3A_111 : i32
      scf.if %cond3A_112 {
        %dma_wait3A = arith.constant 1 : i32
        %dma_wait3A_125 = arith.constant 0 : i32
        %dma_wait3A_126 = tpu.memref_slice %arg8[%dma_wait3A, %dma_wait3A_125] : memref<4x80xi32, #tpu.memory_space<vmem>> -> memref<1x80xi32, #tpu.memory_space<vmem>>
        %dma_wait3A_127 = tpu.memref_squeeze %dma_wait3A_126 : memref<1x80xi32, #tpu.memory_space<vmem>> -> memref<80xi32, #tpu.memory_space<vmem>>
        %dma_wait3A_128 = arith.constant 0 : i32
        %dma_wait3A_129 = arith.constant 0 : i32
        %dma_wait3A_130 = tpu.memref_slice %arg13[%dma_wait3A_128, %dma_wait3A_129] : memref<10000x128xf32, #tpu.memory_space<vmem_shared>> -> memref<10000x128xf32, #tpu.memory_space<vmem_shared>>
        tpu.wait_indirect_dma semaphore(%arg19 : memref<!tpu.dma_semaphore, #tpu.memory_space<semaphore_mem>>) src(%arg10 : memref<80x128xf32, #tpu.memory_space<vmem>>) dst(%dma_wait3A_130 : memref<10000x128xf32, #tpu.memory_space<vmem_shared>>)
      } else {
      }
      %add3A_113 = arith.constant 2 : i32
      %add3A_114 = arith.addi %add3A_104, %add3A_113 : i32
      %le3A_115 = arith.constant 124 : i32
      %le3A_116 = arith.cmpi sle, %add3A_114, %le3A_115 : i32
      %convert_element_type3A_117 = arith.extui %le3A_116 : i1 to i32
      %cond3A_118 = arith.constant 0 : i32
      %cond3A_119 = arith.cmpi ne, %convert_element_type3A_117, %cond3A_118 : i32
      scf.if %cond3A_119 {
        %add3A_125 = arith.constant 2 : i32
        %add3A_126 = arith.addi %add3A_104, %add3A_125 : i32
        %mul3A_127 = arith.constant 80 : i32
        %mul3A_128 = arith.muli %add3A_126, %mul3A_127 : i32
        %add3A_129 = arith.addi %mul3A_4, %mul3A_128 : i32
        %run_scoped3A_130 = arith.constant 1 : i32
        "tpu.region"() ({
          %run_scoped3A_139 = tpu.sem_alloc : memref<!tpu.dma_semaphore, #tpu.memory_space<semaphore_mem>>
          %dma_start3A_140 = arith.constant 0 : i32
          %dma_start3A_141 = tpu.memref_slice %arg7[%run_scoped3A_130, %dma_start3A_140] : memref<4x80xi32, #tpu.memory_space<vmem>> -> memref<1x80xi32, #tpu.memory_space<vmem>>
          %dma_start3A_142 = tpu.memref_squeeze %dma_start3A_141 : memref<1x80xi32, #tpu.memory_space<vmem>> -> memref<80xi32, #tpu.memory_space<vmem>>
          %dma_start3A_143 = tpu.memref_slice %arg3[%add3A_129] : memref<320000xi32, #tpu.memory_space<hbm>> -> memref<80xi32, #tpu.memory_space<hbm>>
          %dma_start3A_144 = arith.constant 0 : i32
          %dma_start3A_145 = tpu.memref_slice %arg7[%run_scoped3A_130, %dma_start3A_144] : memref<4x80xi32, #tpu.memory_space<vmem>> -> memref<1x80xi32, #tpu.memory_space<vmem>>
          %dma_start3A_146 = tpu.memref_squeeze %dma_start3A_145 : memref<1x80xi32, #tpu.memory_space<vmem>> -> memref<80xi32, #tpu.memory_space<vmem>>
          %dma_start3A_147 = tpu.memref_slice %arg3[%add3A_129] : memref<320000xi32, #tpu.memory_space<hbm>> -> memref<80xi32, #tpu.memory_space<hbm>>
          tpu.enqueue_dma source(%dma_start3A_147 : memref<80xi32, #tpu.memory_space<hbm>>) target(%dma_start3A_146 : memref<80xi32, #tpu.memory_space<vmem>>) target_semaphore(%run_scoped3A_139 : memref<!tpu.dma_semaphore, #tpu.memory_space<semaphore_mem>>)
          %dma_wait3A = arith.constant 0 : i32
          %dma_wait3A_148 = tpu.memref_slice %arg7[%run_scoped3A_130, %dma_wait3A] : memref<4x80xi32, #tpu.memory_space<vmem>> -> memref<1x80xi32, #tpu.memory_space<vmem>>
          %dma_wait3A_149 = tpu.memref_squeeze %dma_wait3A_148 : memref<1x80xi32, #tpu.memory_space<vmem>> -> memref<80xi32, #tpu.memory_space<vmem>>
          %dma_wait3A_150 = tpu.memref_slice %arg3[%add3A_129] : memref<320000xi32, #tpu.memory_space<hbm>> -> memref<80xi32, #tpu.memory_space<hbm>>
          %dma_wait3A_151 = arith.constant 0 : i32
          %dma_wait3A_152 = tpu.memref_slice %arg7[%run_scoped3A_130, %dma_wait3A_151] : memref<4x80xi32, #tpu.memory_space<vmem>> -> memref<1x80xi32, #tpu.memory_space<vmem>>
          %dma_wait3A_153 = tpu.memref_squeeze %dma_wait3A_152 : memref<1x80xi32, #tpu.memory_space<vmem>> -> memref<80xi32, #tpu.memory_space<vmem>>
          %dma_wait3A_154 = tpu.memref_slice %arg3[%add3A_129] : memref<320000xi32, #tpu.memory_space<hbm>> -> memref<80xi32, #tpu.memory_space<hbm>>
          tpu.wait_dma2 semaphore(%run_scoped3A_139 : memref<!tpu.dma_semaphore, #tpu.memory_space<semaphore_mem>>) src(%dma_wait3A_154 : memref<80xi32, #tpu.memory_space<hbm>>) dst(%dma_wait3A_153 : memref<80xi32, #tpu.memory_space<vmem>>)
          tpu.yield
        }) : () -> ()
        %run_scoped3A_131 = arith.constant 1 : i32
        "tpu.region"() ({
          %run_scoped3A_139 = tpu.sem_alloc : memref<!tpu.dma_semaphore, #tpu.memory_space<semaphore_mem>>
          %dma_start3A_140 = arith.constant 0 : i32
          %dma_start3A_141 = tpu.memref_slice %arg8[%run_scoped3A_131, %dma_start3A_140] : memref<4x80xi32, #tpu.memory_space<vmem>> -> memref<1x80xi32, #tpu.memory_space<vmem>>
          %dma_start3A_142 = tpu.memref_squeeze %dma_start3A_141 : memref<1x80xi32, #tpu.memory_space<vmem>> -> memref<80xi32, #tpu.memory_space<vmem>>
          %dma_start3A_143 = tpu.memref_slice %arg4[%add3A_129] : memref<320000xi32, #tpu.memory_space<hbm>> -> memref<80xi32, #tpu.memory_space<hbm>>
          %dma_start3A_144 = arith.constant 0 : i32
          %dma_start3A_145 = tpu.memref_slice %arg8[%run_scoped3A_131, %dma_start3A_144] : memref<4x80xi32, #tpu.memory_space<vmem>> -> memref<1x80xi32, #tpu.memory_space<vmem>>
          %dma_start3A_146 = tpu.memref_squeeze %dma_start3A_145 : memref<1x80xi32, #tpu.memory_space<vmem>> -> memref<80xi32, #tpu.memory_space<vmem>>
          %dma_start3A_147 = tpu.memref_slice %arg4[%add3A_129] : memref<320000xi32, #tpu.memory_space<hbm>> -> memref<80xi32, #tpu.memory_space<hbm>>
          tpu.enqueue_dma source(%dma_start3A_147 : memref<80xi32, #tpu.memory_space<hbm>>) target(%dma_start3A_146 : memref<80xi32, #tpu.memory_space<vmem>>) target_semaphore(%run_scoped3A_139 : memref<!tpu.dma_semaphore, #tpu.memory_space<semaphore_mem>>)
          %dma_wait3A = arith.constant 0 : i32
          %dma_wait3A_148 = tpu.memref_slice %arg8[%run_scoped3A_131, %dma_wait3A] : memref<4x80xi32, #tpu.memory_space<vmem>> -> memref<1x80xi32, #tpu.memory_space<vmem>>
          %dma_wait3A_149 = tpu.memref_squeeze %dma_wait3A_148 : memref<1x80xi32, #tpu.memory_space<vmem>> -> memref<80xi32, #tpu.memory_space<vmem>>
          %dma_wait3A_150 = tpu.memref_slice %arg4[%add3A_129] : memref<320000xi32, #tpu.memory_space<hbm>> -> memref<80xi32, #tpu.memory_space<hbm>>
          %dma_wait3A_151 = arith.constant 0 : i32
          %dma_wait3A_152 = tpu.memref_slice %arg8[%run_scoped3A_131, %dma_wait3A_151] : memref<4x80xi32, #tpu.memory_space<vmem>> -> memref<1x80xi32, #tpu.memory_space<vmem>>
          %dma_wait3A_153 = tpu.memref_squeeze %dma_wait3A_152 : memref<1x80xi32, #tpu.memory_space<vmem>> -> memref<80xi32, #tpu.memory_space<vmem>>
          %dma_wait3A_154 = tpu.memref_slice %arg4[%add3A_129] : memref<320000xi32, #tpu.memory_space<hbm>> -> memref<80xi32, #tpu.memory_space<hbm>>
          tpu.wait_dma2 semaphore(%run_scoped3A_139 : memref<!tpu.dma_semaphore, #tpu.memory_space<semaphore_mem>>) src(%dma_wait3A_154 : memref<80xi32, #tpu.memory_space<hbm>>) dst(%dma_wait3A_153 : memref<80xi32, #tpu.memory_space<vmem>>)
          tpu.yield
        }) : () -> ()
        %dma_start3A_132 = arith.constant 1 : i32
        %dma_start3A_133 = arith.constant 0 : i32
        %dma_start3A_134 = tpu.memref_slice %arg7[%dma_start3A_132, %dma_start3A_133] : memref<4x80xi32, #tpu.memory_space<vmem>> -> memref<1x80xi32, #tpu.memory_space<vmem>>
        %dma_start3A_135 = tpu.memref_squeeze %dma_start3A_134 : memref<1x80xi32, #tpu.memory_space<vmem>> -> memref<80xi32, #tpu.memory_space<vmem>>
        %dma_start3A_136 = arith.constant 0 : i32
        %dma_start3A_137 = arith.constant 0 : i32
        %dma_start3A_138 = tpu.memref_slice %arg2[%dma_start3A_136, %dma_start3A_137] : memref<10000x128xf32, #tpu.memory_space<hbm>> -> memref<10000x128xf32, #tpu.memory_space<hbm>>
        tpu.enqueue_indirect_dma source(%dma_start3A_138 : memref<10000x128xf32, #tpu.memory_space<hbm>>) target(%arg10 : memref<80x128xf32, #tpu.memory_space<vmem>>) offsets(%dma_start3A_135 : memref<80xi32, #tpu.memory_space<vmem>>) semaphore(%arg15 : memref<!tpu.dma_semaphore, #tpu.memory_space<semaphore_mem>>)
      } else {
      }
      %le3A_120 = arith.constant 124 : i32
      %le3A_121 = arith.cmpi sle, %add3A_104, %le3A_120 : i32
      %convert_element_type3A_122 = arith.extui %le3A_121 : i1 to i32
      %cond3A_123 = arith.constant 0 : i32
      %cond3A_124 = arith.cmpi ne, %convert_element_type3A_122, %cond3A_123 : i32
      scf.if %cond3A_124 {
        %dma_wait3A = arith.constant 3 : i32
        %dma_wait3A_125 = arith.constant 0 : i32
        %dma_wait3A_126 = tpu.memref_slice %arg7[%dma_wait3A, %dma_wait3A_125] : memref<4x80xi32, #tpu.memory_space<vmem>> -> memref<1x80xi32, #tpu.memory_space<vmem>>
        %dma_wait3A_127 = tpu.memref_squeeze %dma_wait3A_126 : memref<1x80xi32, #tpu.memory_space<vmem>> -> memref<80xi32, #tpu.memory_space<vmem>>
        %dma_wait3A_128 = arith.constant 0 : i32
        %dma_wait3A_129 = arith.constant 0 : i32
        %dma_wait3A_130 = tpu.memref_slice %arg2[%dma_wait3A_128, %dma_wait3A_129] : memref<10000x128xf32, #tpu.memory_space<hbm>> -> memref<10000x128xf32, #tpu.memory_space<hbm>>
        tpu.wait_indirect_dma semaphore(%arg17 : memref<!tpu.dma_semaphore, #tpu.memory_space<semaphore_mem>>) src(%dma_wait3A_130 : memref<10000x128xf32, #tpu.memory_space<hbm>>) dst(%arg12 : memref<80x128xf32, #tpu.memory_space<vmem>>)
        %dma_start3A_131 = arith.constant 3 : i32
        %dma_start3A_132 = arith.constant 0 : i32
        %dma_start3A_133 = tpu.memref_slice %arg8[%dma_start3A_131, %dma_start3A_132] : memref<4x80xi32, #tpu.memory_space<vmem>> -> memref<1x80xi32, #tpu.memory_space<vmem>>
        %dma_start3A_134 = tpu.memref_squeeze %dma_start3A_133 : memref<1x80xi32, #tpu.memory_space<vmem>> -> memref<80xi32, #tpu.memory_space<vmem>>
        %dma_start3A_135 = arith.constant 0 : i32
        %dma_start3A_136 = arith.constant 0 : i32
        %dma_start3A_137 = tpu.memref_slice %arg13[%dma_start3A_135, %dma_start3A_136] : memref<10000x128xf32, #tpu.memory_space<vmem_shared>> -> memref<10000x128xf32, #tpu.memory_space<vmem_shared>>
        tpu.enqueue_indirect_dma source(%arg12 : memref<80x128xf32, #tpu.memory_space<vmem>>) target(%dma_start3A_137 : memref<10000x128xf32, #tpu.memory_space<vmem_shared>>) offsets(%dma_start3A_134 : memref<80xi32, #tpu.memory_space<vmem>>) semaphore(%arg21 : memref<!tpu.dma_semaphore, #tpu.memory_space<semaphore_mem>>) {add = true}
      } else {
      }
    }
    %scan3A_29 = arith.constant 32 : i32
    %barrier3A_30 = arith.constant 0 : index
    tpu.barrier barrier_id(%barrier3A_30)
    %mul3A_31 = arith.constant 625 : i32
    %mul3A_32 = arith.muli %arg1, %mul3A_31 : i32
    "tpu.region"() ({
      %run_scoped3A_33 = tpu.sem_alloc : memref<!tpu.dma_semaphore, #tpu.memory_space<semaphore_mem>>
      %dma_start3A_34 = arith.constant 0 : i32
      %dma_start3A_35 = arith.constant 0 : i32
      %dma_start3A_36 = tpu.memref_slice %arg6[%arg0, %arg1, %dma_start3A_34, %dma_start3A_35] : memref<2x16x625x128xf32, #tpu.memory_space<hbm>> -> memref<1x1x625x128xf32, #tpu.memory_space<hbm>>
      %dma_start3A_37 = tpu.memref_squeeze %dma_start3A_36 : memref<1x1x625x128xf32, #tpu.memory_space<hbm>> -> memref<625x128xf32, #tpu.memory_space<hbm>>
      %dma_start3A_38 = arith.constant 0 : i32
      %dma_start3A_39 = tpu.memref_slice %arg13[%mul3A_32, %dma_start3A_38] : memref<10000x128xf32, #tpu.memory_space<vmem_shared>> -> memref<625x128xf32, #tpu.memory_space<vmem_shared>>
      tpu.enqueue_dma source(%dma_start3A_39 : memref<625x128xf32, #tpu.memory_space<vmem_shared>>) target(%dma_start3A_37 : memref<625x128xf32, #tpu.memory_space<hbm>>) target_semaphore(%run_scoped3A_33 : memref<!tpu.dma_semaphore, #tpu.memory_space<semaphore_mem>>)
      %dma_wait3A = arith.constant 0 : i32
      %dma_wait3A_40 = arith.constant 0 : i32
      %dma_wait3A_41 = tpu.memref_slice %arg6[%arg0, %arg1, %dma_wait3A, %dma_wait3A_40] : memref<2x16x625x128xf32, #tpu.memory_space<hbm>> -> memref<1x1x625x128xf32, #tpu.memory_space<hbm>>
      %dma_wait3A_42 = tpu.memref_squeeze %dma_wait3A_41 : memref<1x1x625x128xf32, #tpu.memory_space<hbm>> -> memref<625x128xf32, #tpu.memory_space<hbm>>
      %dma_wait3A_43 = arith.constant 0 : i32
      %dma_wait3A_44 = tpu.memref_slice %arg13[%mul3A_32, %dma_wait3A_43] : memref<10000x128xf32, #tpu.memory_space<vmem_shared>> -> memref<625x128xf32, #tpu.memory_space<vmem_shared>>
      tpu.wait_dma2 semaphore(%run_scoped3A_33 : memref<!tpu.dma_semaphore, #tpu.memory_space<semaphore_mem>>) src(%dma_wait3A_44 : memref<625x128xf32, #tpu.memory_space<vmem_shared>>) dst(%dma_wait3A_42 : memref<625x128xf32, #tpu.memory_space<hbm>>)
      tpu.yield
    }) : () -> ()
    return
  }
}

#map = affine_map<(d0, d1) -> (0, 0)>
#map1 = affine_map<(d0, d1) -> (0)>
#map2 = affine_map<(d0, d1) -> (0, 0, 0, 0)>
module attributes {stable_mosaic.version = 14 : i64} {
  func.func @_segsum_sc(%arg0: i32, %arg1: i32, %arg2: memref<10000x128xf32, #tpu.memory_space<hbm>>, %arg3: memref<320000xi32, #tpu.memory_space<hbm>>, %arg4: memref<320000xi32, #tpu.memory_space<hbm>>, %arg5: memref<625x128xf32, #tpu.memory_space<hbm>>, %arg6: memref<2x16x625x128xf32, #tpu.memory_space<hbm>>, %arg7: memref<4x80xi32, #tpu.memory_space<vmem>>, %arg8: memref<4x80xi32, #tpu.memory_space<vmem>>, %arg9: memref<80x128xf32, #tpu.memory_space<vmem>>, %arg10: memref<80x128xf32, #tpu.memory_space<vmem>>, %arg11: memref<80x128xf32, #tpu.memory_space<vmem>>, %arg12: memref<80x128xf32, #tpu.memory_space<vmem>>, %arg13: memref<10000x128xf32, #tpu.memory_space<vmem_shared>>, %arg14: memref<!tpu.dma_semaphore, #tpu.memory_space<semaphore_mem>>, %arg15: memref<!tpu.dma_semaphore, #tpu.memory_space<semaphore_mem>>, %arg16: memref<!tpu.dma_semaphore, #tpu.memory_space<semaphore_mem>>, %arg17: memref<!tpu.dma_semaphore, #tpu.memory_space<semaphore_mem>>, %arg18: memref<!tpu.dma_semaphore, #tpu.memory_space<semaphore_mem>>, %arg19: memref<!tpu.dma_semaphore, #tpu.memory_space<semaphore_mem>>, %arg20: memref<!tpu.dma_semaphore, #tpu.memory_space<semaphore_mem>>, %arg21: memref<!tpu.dma_semaphore, #tpu.memory_space<semaphore_mem>>) attributes {dimension_semantics = [#tpu.dimension_semantics<core_parallel>, #tpu.dimension_semantics<subcore_parallel>], iteration_bounds = array<i64: 2, 16>, scalar_prefetch = 0 : i64, scratch_operands = 15 : i64, tpu.core_type = #tpu.core_type<sc_vector_subcore>, window_params = [{transform_indices = #map}, {transform_indices = #map1}, {transform_indices = #map1}, {transform_indices = #map}, {transform_indices = #map2}]} {
    %mul3A = arith.constant 2 : i32
    %mul3A_0 = arith.muli %arg1, %mul3A : i32
    %add3A = arith.addi %mul3A_0, %arg0 : i32
    %mul3A_1 = arith.constant 625 : i32
    %mul3A_2 = arith.muli %arg1, %mul3A_1 : i32
    "tpu.region"() ({
      %run_scoped3A_33 = tpu.sem_alloc : memref<!tpu.dma_semaphore, #tpu.memory_space<semaphore_mem>>
      %dma_start3A_34 = arith.constant 0 : i32
      %dma_start3A_35 = tpu.memref_slice %arg13[%mul3A_2, %dma_start3A_34] : memref<10000x128xf32, #tpu.memory_space<vmem_shared>> -> memref<625x128xf32, #tpu.memory_space<vmem_shared>>
      tpu.enqueue_dma source(%arg5 : memref<625x128xf32, #tpu.memory_space<hbm>>) target(%dma_start3A_35 : memref<625x128xf32, #tpu.memory_space<vmem_shared>>) target_semaphore(%run_scoped3A_33 : memref<!tpu.dma_semaphore, #tpu.memory_space<semaphore_mem>>)
      %dma_wait3A = arith.constant 0 : i32
      %dma_wait3A_36 = tpu.memref_slice %arg13[%mul3A_2, %dma_wait3A] : memref<10000x128xf32, #tpu.memory_space<vmem_shared>> -> memref<625x128xf32, #tpu.memory_space<vmem_shared>>
      tpu.wait_dma2 semaphore(%run_scoped3A_33 : memref<!tpu.dma_semaphore, #tpu.memory_space<semaphore_mem>>) src(%arg5 : memref<625x128xf32, #tpu.memory_space<hbm>>) dst(%dma_wait3A_36 : memref<625x128xf32, #tpu.memory_space<vmem_shared>>)
      tpu.yield
    }) : () -> ()
    %barrier3A = arith.constant 0 : index
    tpu.barrier barrier_id(%barrier3A)
    %mul3A_3 = arith.constant 10000 : i32
    %mul3A_4 = arith.muli %add3A, %mul3A_3 : i32
    %add3A_5 = arith.constant 0 : i32
    %add3A_6 = arith.addi %mul3A_4, %add3A_5 : i32
    %run_scoped3A = arith.constant 0 : i32
    "tpu.region"() ({
      %run_scoped3A_33 = tpu.sem_alloc : memref<!tpu.dma_semaphore, #tpu.memory_space<semaphore_mem>>
      %dma_start3A_34 = arith.constant 0 : i32
      %dma_start3A_35 = tpu.memref_slice %arg7[%run_scoped3A, %dma_start3A_34] : memref<4x80xi32, #tpu.memory_space<vmem>> -> memref<1x80xi32, #tpu.memory_space<vmem>>
      %dma_start3A_36 = tpu.memref_squeeze %dma_start3A_35 : memref<1x80xi32, #tpu.memory_space<vmem>> -> memref<80xi32, #tpu.memory_space<vmem>>
      %dma_start3A_37 = tpu.memref_slice %arg3[%add3A_6] : memref<320000xi32, #tpu.memory_space<hbm>> -> memref<80xi32, #tpu.memory_space<hbm>>
      %dma_start3A_38 = arith.constant 0 : i32
      %dma_start3A_39 = tpu.memref_slice %arg7[%run_scoped3A, %dma_start3A_38] : memref<4x80xi32, #tpu.memory_space<vmem>> -> memref<1x80xi32, #tpu.memory_space<vmem>>
      %dma_start3A_40 = tpu.memref_squeeze %dma_start3A_39 : memref<1x80xi32, #tpu.memory_space<vmem>> -> memref<80xi32, #tpu.memory_space<vmem>>
      %dma_start3A_41 = tpu.memref_slice %arg3[%add3A_6] : memref<320000xi32, #tpu.memory_space<hbm>> -> memref<80xi32, #tpu.memory_space<hbm>>
      tpu.enqueue_dma source(%dma_start3A_41 : memref<80xi32, #tpu.memory_space<hbm>>) target(%dma_start3A_40 : memref<80xi32, #tpu.memory_space<vmem>>) target_semaphore(%run_scoped3A_33 : memref<!tpu.dma_semaphore, #tpu.memory_space<semaphore_mem>>)
      %dma_wait3A = arith.constant 0 : i32
      %dma_wait3A_42 = tpu.memref_slice %arg7[%run_scoped3A, %dma_wait3A] : memref<4x80xi32, #tpu.memory_space<vmem>> -> memref<1x80xi32, #tpu.memory_space<vmem>>
      %dma_wait3A_43 = tpu.memref_squeeze %dma_wait3A_42 : memref<1x80xi32, #tpu.memory_space<vmem>> -> memref<80xi32, #tpu.memory_space<vmem>>
      %dma_wait3A_44 = tpu.memref_slice %arg3[%add3A_6] : memref<320000xi32, #tpu.memory_space<hbm>> -> memref<80xi32, #tpu.memory_space<hbm>>
      %dma_wait3A_45 = arith.constant 0 : i32
      %dma_wait3A_46 = tpu.memref_slice %arg7[%run_scoped3A, %dma_wait3A_45] : memref<4x80xi32, #tpu.memory_space<vmem>> -> memref<1x80xi32, #tpu.memory_space<vmem>>
      %dma_wait3A_47 = tpu.memref_squeeze %dma_wait3A_46 : memref<1x80xi32, #tpu.memory_space<vmem>> -> memref<80xi32, #tpu.memory_space<vmem>>
      %dma_wait3A_48 = tpu.memref_slice %arg3[%add3A_6] : memref<320000xi32, #tpu.memory_space<hbm>> -> memref<80xi32, #tpu.memory_space<hbm>>
      tpu.wait_dma2 semaphore(%run_scoped3A_33 : memref<!tpu.dma_semaphore, #tpu.memory_space<semaphore_mem>>) src(%dma_wait3A_48 : memref<80xi32, #tpu.memory_space<hbm>>) dst(%dma_wait3A_47 : memref<80xi32, #tpu.memory_space<vmem>>)
      tpu.yield
    }) : () -> ()
    %run_scoped3A_7 = arith.constant 0 : i32
    "tpu.region"() ({
      %run_scoped3A_33 = tpu.sem_alloc : memref<!tpu.dma_semaphore, #tpu.memory_space<semaphore_mem>>
      %dma_start3A_34 = arith.constant 0 : i32
      %dma_start3A_35 = tpu.memref_slice %arg8[%run_scoped3A_7, %dma_start3A_34] : memref<4x80xi32, #tpu.memory_space<vmem>> -> memref<1x80xi32, #tpu.memory_space<vmem>>
      %dma_start3A_36 = tpu.memref_squeeze %dma_start3A_35 : memref<1x80xi32, #tpu.memory_space<vmem>> -> memref<80xi32, #tpu.memory_space<vmem>>
      %dma_start3A_37 = tpu.memref_slice %arg4[%add3A_6] : memref<320000xi32, #tpu.memory_space<hbm>> -> memref<80xi32, #tpu.memory_space<hbm>>
      %dma_start3A_38 = arith.constant 0 : i32
      %dma_start3A_39 = tpu.memref_slice %arg8[%run_scoped3A_7, %dma_start3A_38] : memref<4x80xi32, #tpu.memory_space<vmem>> -> memref<1x80xi32, #tpu.memory_space<vmem>>
      %dma_start3A_40 = tpu.memref_squeeze %dma_start3A_39 : memref<1x80xi32, #tpu.memory_space<vmem>> -> memref<80xi32, #tpu.memory_space<vmem>>
      %dma_start3A_41 = tpu.memref_slice %arg4[%add3A_6] : memref<320000xi32, #tpu.memory_space<hbm>> -> memref<80xi32, #tpu.memory_space<hbm>>
      tpu.enqueue_dma source(%dma_start3A_41 : memref<80xi32, #tpu.memory_space<hbm>>) target(%dma_start3A_40 : memref<80xi32, #tpu.memory_space<vmem>>) target_semaphore(%run_scoped3A_33 : memref<!tpu.dma_semaphore, #tpu.memory_space<semaphore_mem>>)
      %dma_wait3A = arith.constant 0 : i32
      %dma_wait3A_42 = tpu.memref_slice %arg8[%run_scoped3A_7, %dma_wait3A] : memref<4x80xi32, #tpu.memory_space<vmem>> -> memref<1x80xi32, #tpu.memory_space<vmem>>
      %dma_wait3A_43 = tpu.memref_squeeze %dma_wait3A_42 : memref<1x80xi32, #tpu.memory_space<vmem>> -> memref<80xi32, #tpu.memory_space<vmem>>
      %dma_wait3A_44 = tpu.memref_slice %arg4[%add3A_6] : memref<320000xi32, #tpu.memory_space<hbm>> -> memref<80xi32, #tpu.memory_space<hbm>>
      %dma_wait3A_45 = arith.constant 0 : i32
      %dma_wait3A_46 = tpu.memref_slice %arg8[%run_scoped3A_7, %dma_wait3A_45] : memref<4x80xi32, #tpu.memory_space<vmem>> -> memref<1x80xi32, #tpu.memory_space<vmem>>
      %dma_wait3A_47 = tpu.memref_squeeze %dma_wait3A_46 : memref<1x80xi32, #tpu.memory_space<vmem>> -> memref<80xi32, #tpu.memory_space<vmem>>
      %dma_wait3A_48 = tpu.memref_slice %arg4[%add3A_6] : memref<320000xi32, #tpu.memory_space<hbm>> -> memref<80xi32, #tpu.memory_space<hbm>>
      tpu.wait_dma2 semaphore(%run_scoped3A_33 : memref<!tpu.dma_semaphore, #tpu.memory_space<semaphore_mem>>) src(%dma_wait3A_48 : memref<80xi32, #tpu.memory_space<hbm>>) dst(%dma_wait3A_47 : memref<80xi32, #tpu.memory_space<vmem>>)
      tpu.yield
    }) : () -> ()
    %dma_start3A = arith.constant 0 : i32
    %dma_start3A_8 = arith.constant 0 : i32
    %dma_start3A_9 = tpu.memref_slice %arg7[%dma_start3A, %dma_start3A_8] : memref<4x80xi32, #tpu.memory_space<vmem>> -> memref<1x80xi32, #tpu.memory_space<vmem>>
    %dma_start3A_10 = tpu.memref_squeeze %dma_start3A_9 : memref<1x80xi32, #tpu.memory_space<vmem>> -> memref<80xi32, #tpu.memory_space<vmem>>
    %dma_start3A_11 = arith.constant 0 : i32
    %dma_start3A_12 = arith.constant 0 : i32
    %dma_start3A_13 = tpu.memref_slice %arg2[%dma_start3A_11, %dma_start3A_12] : memref<10000x128xf32, #tpu.memory_space<hbm>> -> memref<10000x128xf32, #tpu.memory_space<hbm>>
    tpu.enqueue_indirect_dma source(%dma_start3A_13 : memref<10000x128xf32, #tpu.memory_space<hbm>>) target(%arg9 : memref<80x128xf32, #tpu.memory_space<vmem>>) offsets(%dma_start3A_10 : memref<80xi32, #tpu.memory_space<vmem>>) semaphore(%arg14 : memref<!tpu.dma_semaphore, #tpu.memory_space<semaphore_mem>>)
    %add3A_14 = arith.constant 80 : i32
    %add3A_15 = arith.addi %mul3A_4, %add3A_14 : i32
    %run_scoped3A_16 = arith.constant 1 : i32
    "tpu.region"() ({
      %run_scoped3A_33 = tpu.sem_alloc : memref<!tpu.dma_semaphore, #tpu.memory_space<semaphore_mem>>
      %dma_start3A_34 = arith.constant 0 : i32
      %dma_start3A_35 = tpu.memref_slice %arg7[%run_scoped3A_16, %dma_start3A_34] : memref<4x80xi32, #tpu.memory_space<vmem>> -> memref<1x80xi32, #tpu.memory_space<vmem>>
      %dma_start3A_36 = tpu.memref_squeeze %dma_start3A_35 : memref<1x80xi32, #tpu.memory_space<vmem>> -> memref<80xi32, #tpu.memory_space<vmem>>
      %dma_start3A_37 = tpu.memref_slice %arg3[%add3A_15] : memref<320000xi32, #tpu.memory_space<hbm>> -> memref<80xi32, #tpu.memory_space<hbm>>
      %dma_start3A_38 = arith.constant 0 : i32
      %dma_start3A_39 = tpu.memref_slice %arg7[%run_scoped3A_16, %dma_start3A_38] : memref<4x80xi32, #tpu.memory_space<vmem>> -> memref<1x80xi32, #tpu.memory_space<vmem>>
      %dma_start3A_40 = tpu.memref_squeeze %dma_start3A_39 : memref<1x80xi32, #tpu.memory_space<vmem>> -> memref<80xi32, #tpu.memory_space<vmem>>
      %dma_start3A_41 = tpu.memref_slice %arg3[%add3A_15] : memref<320000xi32, #tpu.memory_space<hbm>> -> memref<80xi32, #tpu.memory_space<hbm>>
      tpu.enqueue_dma source(%dma_start3A_41 : memref<80xi32, #tpu.memory_space<hbm>>) target(%dma_start3A_40 : memref<80xi32, #tpu.memory_space<vmem>>) target_semaphore(%run_scoped3A_33 : memref<!tpu.dma_semaphore, #tpu.memory_space<semaphore_mem>>)
      %dma_wait3A = arith.constant 0 : i32
      %dma_wait3A_42 = tpu.memref_slice %arg7[%run_scoped3A_16, %dma_wait3A] : memref<4x80xi32, #tpu.memory_space<vmem>> -> memref<1x80xi32, #tpu.memory_space<vmem>>
      %dma_wait3A_43 = tpu.memref_squeeze %dma_wait3A_42 : memref<1x80xi32, #tpu.memory_space<vmem>> -> memref<80xi32, #tpu.memory_space<vmem>>
      %dma_wait3A_44 = tpu.memref_slice %arg3[%add3A_15] : memref<320000xi32, #tpu.memory_space<hbm>> -> memref<80xi32, #tpu.memory_space<hbm>>
      %dma_wait3A_45 = arith.constant 0 : i32
      %dma_wait3A_46 = tpu.memref_slice %arg7[%run_scoped3A_16, %dma_wait3A_45] : memref<4x80xi32, #tpu.memory_space<vmem>> -> memref<1x80xi32, #tpu.memory_space<vmem>>
      %dma_wait3A_47 = tpu.memref_squeeze %dma_wait3A_46 : memref<1x80xi32, #tpu.memory_space<vmem>> -> memref<80xi32, #tpu.memory_space<vmem>>
      %dma_wait3A_48 = tpu.memref_slice %arg3[%add3A_15] : memref<320000xi32, #tpu.memory_space<hbm>> -> memref<80xi32, #tpu.memory_space<hbm>>
      tpu.wait_dma2 semaphore(%run_scoped3A_33 : memref<!tpu.dma_semaphore, #tpu.memory_space<semaphore_mem>>) src(%dma_wait3A_48 : memref<80xi32, #tpu.memory_space<hbm>>) dst(%dma_wait3A_47 : memref<80xi32, #tpu.memory_space<vmem>>)
      tpu.yield
    }) : () -> ()
    %run_scoped3A_17 = arith.constant 1 : i32
    "tpu.region"() ({
      %run_scoped3A_33 = tpu.sem_alloc : memref<!tpu.dma_semaphore, #tpu.memory_space<semaphore_mem>>
      %dma_start3A_34 = arith.constant 0 : i32
      %dma_start3A_35 = tpu.memref_slice %arg8[%run_scoped3A_17, %dma_start3A_34] : memref<4x80xi32, #tpu.memory_space<vmem>> -> memref<1x80xi32, #tpu.memory_space<vmem>>
      %dma_start3A_36 = tpu.memref_squeeze %dma_start3A_35 : memref<1x80xi32, #tpu.memory_space<vmem>> -> memref<80xi32, #tpu.memory_space<vmem>>
      %dma_start3A_37 = tpu.memref_slice %arg4[%add3A_15] : memref<320000xi32, #tpu.memory_space<hbm>> -> memref<80xi32, #tpu.memory_space<hbm>>
      %dma_start3A_38 = arith.constant 0 : i32
      %dma_start3A_39 = tpu.memref_slice %arg8[%run_scoped3A_17, %dma_start3A_38] : memref<4x80xi32, #tpu.memory_space<vmem>> -> memref<1x80xi32, #tpu.memory_space<vmem>>
      %dma_start3A_40 = tpu.memref_squeeze %dma_start3A_39 : memref<1x80xi32, #tpu.memory_space<vmem>> -> memref<80xi32, #tpu.memory_space<vmem>>
      %dma_start3A_41 = tpu.memref_slice %arg4[%add3A_15] : memref<320000xi32, #tpu.memory_space<hbm>> -> memref<80xi32, #tpu.memory_space<hbm>>
      tpu.enqueue_dma source(%dma_start3A_41 : memref<80xi32, #tpu.memory_space<hbm>>) target(%dma_start3A_40 : memref<80xi32, #tpu.memory_space<vmem>>) target_semaphore(%run_scoped3A_33 : memref<!tpu.dma_semaphore, #tpu.memory_space<semaphore_mem>>)
      %dma_wait3A = arith.constant 0 : i32
      %dma_wait3A_42 = tpu.memref_slice %arg8[%run_scoped3A_17, %dma_wait3A] : memref<4x80xi32, #tpu.memory_space<vmem>> -> memref<1x80xi32, #tpu.memory_space<vmem>>
      %dma_wait3A_43 = tpu.memref_squeeze %dma_wait3A_42 : memref<1x80xi32, #tpu.memory_space<vmem>> -> memref<80xi32, #tpu.memory_space<vmem>>
      %dma_wait3A_44 = tpu.memref_slice %arg4[%add3A_15] : memref<320000xi32, #tpu.memory_space<hbm>> -> memref<80xi32, #tpu.memory_space<hbm>>
      %dma_wait3A_45 = arith.constant 0 : i32
      %dma_wait3A_46 = tpu.memref_slice %arg8[%run_scoped3A_17, %dma_wait3A_45] : memref<4x80xi32, #tpu.memory_space<vmem>> -> memref<1x80xi32, #tpu.memory_space<vmem>>
      %dma_wait3A_47 = tpu.memref_squeeze %dma_wait3A_46 : memref<1x80xi32, #tpu.memory_space<vmem>> -> memref<80xi32, #tpu.memory_space<vmem>>
      %dma_wait3A_48 = tpu.memref_slice %arg4[%add3A_15] : memref<320000xi32, #tpu.memory_space<hbm>> -> memref<80xi32, #tpu.memory_space<hbm>>
      tpu.wait_dma2 semaphore(%run_scoped3A_33 : memref<!tpu.dma_semaphore, #tpu.memory_space<semaphore_mem>>) src(%dma_wait3A_48 : memref<80xi32, #tpu.memory_space<hbm>>) dst(%dma_wait3A_47 : memref<80xi32, #tpu.memory_space<vmem>>)
      tpu.yield
    }) : () -> ()
    %dma_start3A_18 = arith.constant 1 : i32
    %dma_start3A_19 = arith.constant 0 : i32
    %dma_start3A_20 = tpu.memref_slice %arg7[%dma_start3A_18, %dma_start3A_19] : memref<4x80xi32, #tpu.memory_space<vmem>> -> memref<1x80xi32, #tpu.memory_space<vmem>>
    %dma_start3A_21 = tpu.memref_squeeze %dma_start3A_20 : memref<1x80xi32, #tpu.memory_space<vmem>> -> memref<80xi32, #tpu.memory_space<vmem>>
    %dma_start3A_22 = arith.constant 0 : i32
    %dma_start3A_23 = arith.constant 0 : i32
    %dma_start3A_24 = tpu.memref_slice %arg2[%dma_start3A_22, %dma_start3A_23] : memref<10000x128xf32, #tpu.memory_space<hbm>> -> memref<10000x128xf32, #tpu.memory_space<hbm>>
    tpu.enqueue_indirect_dma source(%dma_start3A_24 : memref<10000x128xf32, #tpu.memory_space<hbm>>) target(%arg10 : memref<80x128xf32, #tpu.memory_space<vmem>>) offsets(%dma_start3A_21 : memref<80xi32, #tpu.memory_space<vmem>>) semaphore(%arg15 : memref<!tpu.dma_semaphore, #tpu.memory_space<semaphore_mem>>)
    %scan3A = arith.constant 0 : i32
    %scan3A_25 = arith.constant 0 : i32
    %scan3A_26 = arith.constant 32 : i32
    %scan3A_27 = arith.addi %scan3A_25, %scan3A_26 : i32
    %scan3A_28 = arith.constant 1 : i32
    scf.for %scan3A_33 = %scan3A_25 to %scan3A_27 step %scan3A_28  : i32 {
      %mul3A_34 = arith.constant 4 : i32
      %mul3A_35 = arith.muli %mul3A_34, %scan3A_33 : i32
      %add3A_36 = arith.constant 0 : i32
      %add3A_37 = arith.addi %mul3A_35, %add3A_36 : i32
      %ge3A = arith.constant 2 : i32
      %ge3A_38 = arith.cmpi sge, %add3A_37, %ge3A : i32
      %le3A = arith.constant 126 : i32
      %le3A_39 = arith.cmpi sle, %add3A_37, %le3A : i32
      %and3A = arith.andi %ge3A_38, %le3A_39 : i1
      %convert_element_type3A = arith.extui %and3A : i1 to i32
      %cond3A = arith.constant 0 : i32
      %cond3A_40 = arith.cmpi ne, %convert_element_type3A, %cond3A : i32
      scf.if %cond3A_40 {
        %dma_wait3A = arith.constant 2 : i32
        %dma_wait3A_125 = arith.constant 0 : i32
        %dma_wait3A_126 = tpu.memref_slice %arg8[%dma_wait3A, %dma_wait3A_125] : memref<4x80xi32, #tpu.memory_space<vmem>> -> memref<1x80xi32, #tpu.memory_space<vmem>>
        %dma_wait3A_127 = tpu.memref_squeeze %dma_wait3A_126 : memref<1x80xi32, #tpu.memory_space<vmem>> -> memref<80xi32, #tpu.memory_space<vmem>>
        %dma_wait3A_128 = arith.constant 0 : i32
        %dma_wait3A_129 = arith.constant 0 : i32
        %dma_wait3A_130 = tpu.memref_slice %arg13[%dma_wait3A_128, %dma_wait3A_129] : memref<10000x128xf32, #tpu.memory_space<vmem_shared>> -> memref<10000x128xf32, #tpu.memory_space<vmem_shared>>
        tpu.wait_indirect_dma semaphore(%arg20 : memref<!tpu.dma_semaphore, #tpu.memory_space<semaphore_mem>>) src(%arg11 : memref<80x128xf32, #tpu.memory_space<vmem>>) dst(%dma_wait3A_130 : memref<10000x128xf32, #tpu.memory_space<vmem_shared>>)
      } else {
      }
      %add3A_41 = arith.constant 2 : i32
      %add3A_42 = arith.addi %add3A_37, %add3A_41 : i32
      %le3A_43 = arith.constant 124 : i32
      %le3A_44 = arith.cmpi sle, %add3A_42, %le3A_43 : i32
      %convert_element_type3A_45 = arith.extui %le3A_44 : i1 to i32
      %cond3A_46 = arith.constant 0 : i32
      %cond3A_47 = arith.cmpi ne, %convert_element_type3A_45, %cond3A_46 : i32
      scf.if %cond3A_47 {
        %add3A_125 = arith.constant 2 : i32
        %add3A_126 = arith.addi %add3A_37, %add3A_125 : i32
        %mul3A_127 = arith.constant 80 : i32
        %mul3A_128 = arith.muli %add3A_126, %mul3A_127 : i32
        %add3A_129 = arith.addi %mul3A_4, %mul3A_128 : i32
        %run_scoped3A_130 = arith.constant 2 : i32
        "tpu.region"() ({
          %run_scoped3A_139 = tpu.sem_alloc : memref<!tpu.dma_semaphore, #tpu.memory_space<semaphore_mem>>
          %dma_start3A_140 = arith.constant 0 : i32
          %dma_start3A_141 = tpu.memref_slice %arg7[%run_scoped3A_130, %dma_start3A_140] : memref<4x80xi32, #tpu.memory_space<vmem>> -> memref<1x80xi32, #tpu.memory_space<vmem>>
          %dma_start3A_142 = tpu.memref_squeeze %dma_start3A_141 : memref<1x80xi32, #tpu.memory_space<vmem>> -> memref<80xi32, #tpu.memory_space<vmem>>
          %dma_start3A_143 = tpu.memref_slice %arg3[%add3A_129] : memref<320000xi32, #tpu.memory_space<hbm>> -> memref<80xi32, #tpu.memory_space<hbm>>
          %dma_start3A_144 = arith.constant 0 : i32
          %dma_start3A_145 = tpu.memref_slice %arg7[%run_scoped3A_130, %dma_start3A_144] : memref<4x80xi32, #tpu.memory_space<vmem>> -> memref<1x80xi32, #tpu.memory_space<vmem>>
          %dma_start3A_146 = tpu.memref_squeeze %dma_start3A_145 : memref<1x80xi32, #tpu.memory_space<vmem>> -> memref<80xi32, #tpu.memory_space<vmem>>
          %dma_start3A_147 = tpu.memref_slice %arg3[%add3A_129] : memref<320000xi32, #tpu.memory_space<hbm>> -> memref<80xi32, #tpu.memory_space<hbm>>
          tpu.enqueue_dma source(%dma_start3A_147 : memref<80xi32, #tpu.memory_space<hbm>>) target(%dma_start3A_146 : memref<80xi32, #tpu.memory_space<vmem>>) target_semaphore(%run_scoped3A_139 : memref<!tpu.dma_semaphore, #tpu.memory_space<semaphore_mem>>)
          %dma_wait3A = arith.constant 0 : i32
          %dma_wait3A_148 = tpu.memref_slice %arg7[%run_scoped3A_130, %dma_wait3A] : memref<4x80xi32, #tpu.memory_space<vmem>> -> memref<1x80xi32, #tpu.memory_space<vmem>>
          %dma_wait3A_149 = tpu.memref_squeeze %dma_wait3A_148 : memref<1x80xi32, #tpu.memory_space<vmem>> -> memref<80xi32, #tpu.memory_space<vmem>>
          %dma_wait3A_150 = tpu.memref_slice %arg3[%add3A_129] : memref<320000xi32, #tpu.memory_space<hbm>> -> memref<80xi32, #tpu.memory_space<hbm>>
          %dma_wait3A_151 = arith.constant 0 : i32
          %dma_wait3A_152 = tpu.memref_slice %arg7[%run_scoped3A_130, %dma_wait3A_151] : memref<4x80xi32, #tpu.memory_space<vmem>> -> memref<1x80xi32, #tpu.memory_space<vmem>>
          %dma_wait3A_153 = tpu.memref_squeeze %dma_wait3A_152 : memref<1x80xi32, #tpu.memory_space<vmem>> -> memref<80xi32, #tpu.memory_space<vmem>>
          %dma_wait3A_154 = tpu.memref_slice %arg3[%add3A_129] : memref<320000xi32, #tpu.memory_space<hbm>> -> memref<80xi32, #tpu.memory_space<hbm>>
          tpu.wait_dma2 semaphore(%run_scoped3A_139 : memref<!tpu.dma_semaphore, #tpu.memory_space<semaphore_mem>>) src(%dma_wait3A_154 : memref<80xi32, #tpu.memory_space<hbm>>) dst(%dma_wait3A_153 : memref<80xi32, #tpu.memory_space<vmem>>)
          tpu.yield
        }) : () -> ()
        %run_scoped3A_131 = arith.constant 2 : i32
        "tpu.region"() ({
          %run_scoped3A_139 = tpu.sem_alloc : memref<!tpu.dma_semaphore, #tpu.memory_space<semaphore_mem>>
          %dma_start3A_140 = arith.constant 0 : i32
          %dma_start3A_141 = tpu.memref_slice %arg8[%run_scoped3A_131, %dma_start3A_140] : memref<4x80xi32, #tpu.memory_space<vmem>> -> memref<1x80xi32, #tpu.memory_space<vmem>>
          %dma_start3A_142 = tpu.memref_squeeze %dma_start3A_141 : memref<1x80xi32, #tpu.memory_space<vmem>> -> memref<80xi32, #tpu.memory_space<vmem>>
          %dma_start3A_143 = tpu.memref_slice %arg4[%add3A_129] : memref<320000xi32, #tpu.memory_space<hbm>> -> memref<80xi32, #tpu.memory_space<hbm>>
          %dma_start3A_144 = arith.constant 0 : i32
          %dma_start3A_145 = tpu.memref_slice %arg8[%run_scoped3A_131, %dma_start3A_144] : memref<4x80xi32, #tpu.memory_space<vmem>> -> memref<1x80xi32, #tpu.memory_space<vmem>>
          %dma_start3A_146 = tpu.memref_squeeze %dma_start3A_145 : memref<1x80xi32, #tpu.memory_space<vmem>> -> memref<80xi32, #tpu.memory_space<vmem>>
          %dma_start3A_147 = tpu.memref_slice %arg4[%add3A_129] : memref<320000xi32, #tpu.memory_space<hbm>> -> memref<80xi32, #tpu.memory_space<hbm>>
          tpu.enqueue_dma source(%dma_start3A_147 : memref<80xi32, #tpu.memory_space<hbm>>) target(%dma_start3A_146 : memref<80xi32, #tpu.memory_space<vmem>>) target_semaphore(%run_scoped3A_139 : memref<!tpu.dma_semaphore, #tpu.memory_space<semaphore_mem>>)
          %dma_wait3A = arith.constant 0 : i32
          %dma_wait3A_148 = tpu.memref_slice %arg8[%run_scoped3A_131, %dma_wait3A] : memref<4x80xi32, #tpu.memory_space<vmem>> -> memref<1x80xi32, #tpu.memory_space<vmem>>
          %dma_wait3A_149 = tpu.memref_squeeze %dma_wait3A_148 : memref<1x80xi32, #tpu.memory_space<vmem>> -> memref<80xi32, #tpu.memory_space<vmem>>
          %dma_wait3A_150 = tpu.memref_slice %arg4[%add3A_129] : memref<320000xi32, #tpu.memory_space<hbm>> -> memref<80xi32, #tpu.memory_space<hbm>>
          %dma_wait3A_151 = arith.constant 0 : i32
          %dma_wait3A_152 = tpu.memref_slice %arg8[%run_scoped3A_131, %dma_wait3A_151] : memref<4x80xi32, #tpu.memory_space<vmem>> -> memref<1x80xi32, #tpu.memory_space<vmem>>
          %dma_wait3A_153 = tpu.memref_squeeze %dma_wait3A_152 : memref<1x80xi32, #tpu.memory_space<vmem>> -> memref<80xi32, #tpu.memory_space<vmem>>
          %dma_wait3A_154 = tpu.memref_slice %arg4[%add3A_129] : memref<320000xi32, #tpu.memory_space<hbm>> -> memref<80xi32, #tpu.memory_space<hbm>>
          tpu.wait_dma2 semaphore(%run_scoped3A_139 : memref<!tpu.dma_semaphore, #tpu.memory_space<semaphore_mem>>) src(%dma_wait3A_154 : memref<80xi32, #tpu.memory_space<hbm>>) dst(%dma_wait3A_153 : memref<80xi32, #tpu.memory_space<vmem>>)
          tpu.yield
        }) : () -> ()
        %dma_start3A_132 = arith.constant 2 : i32
        %dma_start3A_133 = arith.constant 0 : i32
        %dma_start3A_134 = tpu.memref_slice %arg7[%dma_start3A_132, %dma_start3A_133] : memref<4x80xi32, #tpu.memory_space<vmem>> -> memref<1x80xi32, #tpu.memory_space<vmem>>
        %dma_start3A_135 = tpu.memref_squeeze %dma_start3A_134 : memref<1x80xi32, #tpu.memory_space<vmem>> -> memref<80xi32, #tpu.memory_space<vmem>>
        %dma_start3A_136 = arith.constant 0 : i32
        %dma_start3A_137 = arith.constant 0 : i32
        %dma_start3A_138 = tpu.memref_slice %arg2[%dma_start3A_136, %dma_start3A_137] : memref<10000x128xf32, #tpu.memory_space<hbm>> -> memref<10000x128xf32, #tpu.memory_space<hbm>>
        tpu.enqueue_indirect_dma source(%dma_start3A_138 : memref<10000x128xf32, #tpu.memory_space<hbm>>) target(%arg11 : memref<80x128xf32, #tpu.memory_space<vmem>>) offsets(%dma_start3A_135 : memref<80xi32, #tpu.memory_space<vmem>>) semaphore(%arg16 : memref<!tpu.dma_semaphore, #tpu.memory_space<semaphore_mem>>)
      } else {
      }
      %le3A_48 = arith.constant 124 : i32
      %le3A_49 = arith.cmpi sle, %add3A_37, %le3A_48 : i32
      %convert_element_type3A_50 = arith.extui %le3A_49 : i1 to i32
      %cond3A_51 = arith.constant 0 : i32
      %cond3A_52 = arith.cmpi ne, %convert_element_type3A_50, %cond3A_51 : i32
      scf.if %cond3A_52 {
        %dma_wait3A = arith.constant 0 : i32
        %dma_wait3A_125 = arith.constant 0 : i32
        %dma_wait3A_126 = tpu.memref_slice %arg7[%dma_wait3A, %dma_wait3A_125] : memref<4x80xi32, #tpu.memory_space<vmem>> -> memref<1x80xi32, #tpu.memory_space<vmem>>
        %dma_wait3A_127 = tpu.memref_squeeze %dma_wait3A_126 : memref<1x80xi32, #tpu.memory_space<vmem>> -> memref<80xi32, #tpu.memory_space<vmem>>
        %dma_wait3A_128 = arith.constant 0 : i32
        %dma_wait3A_129 = arith.constant 0 : i32
        %dma_wait3A_130 = tpu.memref_slice %arg2[%dma_wait3A_128, %dma_wait3A_129] : memref<10000x128xf32, #tpu.memory_space<hbm>> -> memref<10000x128xf32, #tpu.memory_space<hbm>>
        tpu.wait_indirect_dma semaphore(%arg14 : memref<!tpu.dma_semaphore, #tpu.memory_space<semaphore_mem>>) src(%dma_wait3A_130 : memref<10000x128xf32, #tpu.memory_space<hbm>>) dst(%arg9 : memref<80x128xf32, #tpu.memory_space<vmem>>)
        %dma_start3A_131 = arith.constant 0 : i32
        %dma_start3A_132 = arith.constant 0 : i32
        %dma_start3A_133 = tpu.memref_slice %arg8[%dma_start3A_131, %dma_start3A_132] : memref<4x80xi32, #tpu.memory_space<vmem>> -> memref<1x80xi32, #tpu.memory_space<vmem>>
        %dma_start3A_134 = tpu.memref_squeeze %dma_start3A_133 : memref<1x80xi32, #tpu.memory_space<vmem>> -> memref<80xi32, #tpu.memory_space<vmem>>
        %dma_start3A_135 = arith.constant 0 : i32
        %dma_start3A_136 = arith.constant 0 : i32
        %dma_start3A_137 = tpu.memref_slice %arg13[%dma_start3A_135, %dma_start3A_136] : memref<10000x128xf32, #tpu.memory_space<vmem_shared>> -> memref<10000x128xf32, #tpu.memory_space<vmem_shared>>
        tpu.enqueue_indirect_dma source(%arg9 : memref<80x128xf32, #tpu.memory_space<vmem>>) target(%dma_start3A_137 : memref<10000x128xf32, #tpu.memory_space<vmem_shared>>) offsets(%dma_start3A_134 : memref<80xi32, #tpu.memory_space<vmem>>) semaphore(%arg18 : memref<!tpu.dma_semaphore, #tpu.memory_space<semaphore_mem>>) {add = true}
      } else {
      }
      %mul3A_53 = arith.constant 4 : i32
      %mul3A_54 = arith.muli %mul3A_53, %scan3A_33 : i32
      %add3A_55 = arith.constant 1 : i32
      %add3A_56 = arith.addi %mul3A_54, %add3A_55 : i32
      %ge3A_57 = arith.constant 2 : i32
      %ge3A_58 = arith.cmpi sge, %add3A_56, %ge3A_57 : i32
      %le3A_59 = arith.constant 126 : i32
      %le3A_60 = arith.cmpi sle, %add3A_56, %le3A_59 : i32
      %and3A_61 = arith.andi %ge3A_58, %le3A_60 : i1
      %convert_element_type3A_62 = arith.extui %and3A_61 : i1 to i32
      %cond3A_63 = arith.constant 0 : i32
      %cond3A_64 = arith.cmpi ne, %convert_element_type3A_62, %cond3A_63 : i32
      scf.if %cond3A_64 {
        %dma_wait3A = arith.constant 3 : i32
        %dma_wait3A_125 = arith.constant 0 : i32
        %dma_wait3A_126 = tpu.memref_slice %arg8[%dma_wait3A, %dma_wait3A_125] : memref<4x80xi32, #tpu.memory_space<vmem>> -> memref<1x80xi32, #tpu.memory_space<vmem>>
        %dma_wait3A_127 = tpu.memref_squeeze %dma_wait3A_126 : memref<1x80xi32, #tpu.memory_space<vmem>> -> memref<80xi32, #tpu.memory_space<vmem>>
        %dma_wait3A_128 = arith.constant 0 : i32
        %dma_wait3A_129 = arith.constant 0 : i32
        %dma_wait3A_130 = tpu.memref_slice %arg13[%dma_wait3A_128, %dma_wait3A_129] : memref<10000x128xf32, #tpu.memory_space<vmem_shared>> -> memref<10000x128xf32, #tpu.memory_space<vmem_shared>>
        tpu.wait_indirect_dma semaphore(%arg21 : memref<!tpu.dma_semaphore, #tpu.memory_space<semaphore_mem>>) src(%arg12 : memref<80x128xf32, #tpu.memory_space<vmem>>) dst(%dma_wait3A_130 : memref<10000x128xf32, #tpu.memory_space<vmem_shared>>)
      } else {
      }
      %add3A_65 = arith.constant 2 : i32
      %add3A_66 = arith.addi %add3A_56, %add3A_65 : i32
      %le3A_67 = arith.constant 124 : i32
      %le3A_68 = arith.cmpi sle, %add3A_66, %le3A_67 : i32
      %convert_element_type3A_69 = arith.extui %le3A_68 : i1 to i32
      %cond3A_70 = arith.constant 0 : i32
      %cond3A_71 = arith.cmpi ne, %convert_element_type3A_69, %cond3A_70 : i32
      scf.if %cond3A_71 {
        %add3A_125 = arith.constant 2 : i32
        %add3A_126 = arith.addi %add3A_56, %add3A_125 : i32
        %mul3A_127 = arith.constant 80 : i32
        %mul3A_128 = arith.muli %add3A_126, %mul3A_127 : i32
        %add3A_129 = arith.addi %mul3A_4, %mul3A_128 : i32
        %run_scoped3A_130 = arith.constant 3 : i32
        "tpu.region"() ({
          %run_scoped3A_139 = tpu.sem_alloc : memref<!tpu.dma_semaphore, #tpu.memory_space<semaphore_mem>>
          %dma_start3A_140 = arith.constant 0 : i32
          %dma_start3A_141 = tpu.memref_slice %arg7[%run_scoped3A_130, %dma_start3A_140] : memref<4x80xi32, #tpu.memory_space<vmem>> -> memref<1x80xi32, #tpu.memory_space<vmem>>
          %dma_start3A_142 = tpu.memref_squeeze %dma_start3A_141 : memref<1x80xi32, #tpu.memory_space<vmem>> -> memref<80xi32, #tpu.memory_space<vmem>>
          %dma_start3A_143 = tpu.memref_slice %arg3[%add3A_129] : memref<320000xi32, #tpu.memory_space<hbm>> -> memref<80xi32, #tpu.memory_space<hbm>>
          %dma_start3A_144 = arith.constant 0 : i32
          %dma_start3A_145 = tpu.memref_slice %arg7[%run_scoped3A_130, %dma_start3A_144] : memref<4x80xi32, #tpu.memory_space<vmem>> -> memref<1x80xi32, #tpu.memory_space<vmem>>
          %dma_start3A_146 = tpu.memref_squeeze %dma_start3A_145 : memref<1x80xi32, #tpu.memory_space<vmem>> -> memref<80xi32, #tpu.memory_space<vmem>>
          %dma_start3A_147 = tpu.memref_slice %arg3[%add3A_129] : memref<320000xi32, #tpu.memory_space<hbm>> -> memref<80xi32, #tpu.memory_space<hbm>>
          tpu.enqueue_dma source(%dma_start3A_147 : memref<80xi32, #tpu.memory_space<hbm>>) target(%dma_start3A_146 : memref<80xi32, #tpu.memory_space<vmem>>) target_semaphore(%run_scoped3A_139 : memref<!tpu.dma_semaphore, #tpu.memory_space<semaphore_mem>>)
          %dma_wait3A = arith.constant 0 : i32
          %dma_wait3A_148 = tpu.memref_slice %arg7[%run_scoped3A_130, %dma_wait3A] : memref<4x80xi32, #tpu.memory_space<vmem>> -> memref<1x80xi32, #tpu.memory_space<vmem>>
          %dma_wait3A_149 = tpu.memref_squeeze %dma_wait3A_148 : memref<1x80xi32, #tpu.memory_space<vmem>> -> memref<80xi32, #tpu.memory_space<vmem>>
          %dma_wait3A_150 = tpu.memref_slice %arg3[%add3A_129] : memref<320000xi32, #tpu.memory_space<hbm>> -> memref<80xi32, #tpu.memory_space<hbm>>
          %dma_wait3A_151 = arith.constant 0 : i32
          %dma_wait3A_152 = tpu.memref_slice %arg7[%run_scoped3A_130, %dma_wait3A_151] : memref<4x80xi32, #tpu.memory_space<vmem>> -> memref<1x80xi32, #tpu.memory_space<vmem>>
          %dma_wait3A_153 = tpu.memref_squeeze %dma_wait3A_152 : memref<1x80xi32, #tpu.memory_space<vmem>> -> memref<80xi32, #tpu.memory_space<vmem>>
          %dma_wait3A_154 = tpu.memref_slice %arg3[%add3A_129] : memref<320000xi32, #tpu.memory_space<hbm>> -> memref<80xi32, #tpu.memory_space<hbm>>
          tpu.wait_dma2 semaphore(%run_scoped3A_139 : memref<!tpu.dma_semaphore, #tpu.memory_space<semaphore_mem>>) src(%dma_wait3A_154 : memref<80xi32, #tpu.memory_space<hbm>>) dst(%dma_wait3A_153 : memref<80xi32, #tpu.memory_space<vmem>>)
          tpu.yield
        }) : () -> ()
        %run_scoped3A_131 = arith.constant 3 : i32
        "tpu.region"() ({
          %run_scoped3A_139 = tpu.sem_alloc : memref<!tpu.dma_semaphore, #tpu.memory_space<semaphore_mem>>
          %dma_start3A_140 = arith.constant 0 : i32
          %dma_start3A_141 = tpu.memref_slice %arg8[%run_scoped3A_131, %dma_start3A_140] : memref<4x80xi32, #tpu.memory_space<vmem>> -> memref<1x80xi32, #tpu.memory_space<vmem>>
          %dma_start3A_142 = tpu.memref_squeeze %dma_start3A_141 : memref<1x80xi32, #tpu.memory_space<vmem>> -> memref<80xi32, #tpu.memory_space<vmem>>
          %dma_start3A_143 = tpu.memref_slice %arg4[%add3A_129] : memref<320000xi32, #tpu.memory_space<hbm>> -> memref<80xi32, #tpu.memory_space<hbm>>
          %dma_start3A_144 = arith.constant 0 : i32
          %dma_start3A_145 = tpu.memref_slice %arg8[%run_scoped3A_131, %dma_start3A_144] : memref<4x80xi32, #tpu.memory_space<vmem>> -> memref<1x80xi32, #tpu.memory_space<vmem>>
          %dma_start3A_146 = tpu.memref_squeeze %dma_start3A_145 : memref<1x80xi32, #tpu.memory_space<vmem>> -> memref<80xi32, #tpu.memory_space<vmem>>
          %dma_start3A_147 = tpu.memref_slice %arg4[%add3A_129] : memref<320000xi32, #tpu.memory_space<hbm>> -> memref<80xi32, #tpu.memory_space<hbm>>
          tpu.enqueue_dma source(%dma_start3A_147 : memref<80xi32, #tpu.memory_space<hbm>>) target(%dma_start3A_146 : memref<80xi32, #tpu.memory_space<vmem>>) target_semaphore(%run_scoped3A_139 : memref<!tpu.dma_semaphore, #tpu.memory_space<semaphore_mem>>)
          %dma_wait3A = arith.constant 0 : i32
          %dma_wait3A_148 = tpu.memref_slice %arg8[%run_scoped3A_131, %dma_wait3A] : memref<4x80xi32, #tpu.memory_space<vmem>> -> memref<1x80xi32, #tpu.memory_space<vmem>>
          %dma_wait3A_149 = tpu.memref_squeeze %dma_wait3A_148 : memref<1x80xi32, #tpu.memory_space<vmem>> -> memref<80xi32, #tpu.memory_space<vmem>>
          %dma_wait3A_150 = tpu.memref_slice %arg4[%add3A_129] : memref<320000xi32, #tpu.memory_space<hbm>> -> memref<80xi32, #tpu.memory_space<hbm>>
          %dma_wait3A_151 = arith.constant 0 : i32
          %dma_wait3A_152 = tpu.memref_slice %arg8[%run_scoped3A_131, %dma_wait3A_151] : memref<4x80xi32, #tpu.memory_space<vmem>> -> memref<1x80xi32, #tpu.memory_space<vmem>>
          %dma_wait3A_153 = tpu.memref_squeeze %dma_wait3A_152 : memref<1x80xi32, #tpu.memory_space<vmem>> -> memref<80xi32, #tpu.memory_space<vmem>>
          %dma_wait3A_154 = tpu.memref_slice %arg4[%add3A_129] : memref<320000xi32, #tpu.memory_space<hbm>> -> memref<80xi32, #tpu.memory_space<hbm>>
          tpu.wait_dma2 semaphore(%run_scoped3A_139 : memref<!tpu.dma_semaphore, #tpu.memory_space<semaphore_mem>>) src(%dma_wait3A_154 : memref<80xi32, #tpu.memory_space<hbm>>) dst(%dma_wait3A_153 : memref<80xi32, #tpu.memory_space<vmem>>)
          tpu.yield
        }) : () -> ()
        %dma_start3A_132 = arith.constant 3 : i32
        %dma_start3A_133 = arith.constant 0 : i32
        %dma_start3A_134 = tpu.memref_slice %arg7[%dma_start3A_132, %dma_start3A_133] : memref<4x80xi32, #tpu.memory_space<vmem>> -> memref<1x80xi32, #tpu.memory_space<vmem>>
        %dma_start3A_135 = tpu.memref_squeeze %dma_start3A_134 : memref<1x80xi32, #tpu.memory_space<vmem>> -> memref<80xi32, #tpu.memory_space<vmem>>
        %dma_start3A_136 = arith.constant 0 : i32
        %dma_start3A_137 = arith.constant 0 : i32
        %dma_start3A_138 = tpu.memref_slice %arg2[%dma_start3A_136, %dma_start3A_137] : memref<10000x128xf32, #tpu.memory_space<hbm>> -> memref<10000x128xf32, #tpu.memory_space<hbm>>
        tpu.enqueue_indirect_dma source(%dma_start3A_138 : memref<10000x128xf32, #tpu.memory_space<hbm>>) target(%arg12 : memref<80x128xf32, #tpu.memory_space<vmem>>) offsets(%dma_start3A_135 : memref<80xi32, #tpu.memory_space<vmem>>) semaphore(%arg17 : memref<!tpu.dma_semaphore, #tpu.memory_space<semaphore_mem>>)
      } else {
      }
      %le3A_72 = arith.constant 124 : i32
      %le3A_73 = arith.cmpi sle, %add3A_56, %le3A_72 : i32
      %convert_element_type3A_74 = arith.extui %le3A_73 : i1 to i32
      %cond3A_75 = arith.constant 0 : i32
      %cond3A_76 = arith.cmpi ne, %convert_element_type3A_74, %cond3A_75 : i32
      scf.if %cond3A_76 {
        %dma_wait3A = arith.constant 1 : i32
        %dma_wait3A_125 = arith.constant 0 : i32
        %dma_wait3A_126 = tpu.memref_slice %arg7[%dma_wait3A, %dma_wait3A_125] : memref<4x80xi32, #tpu.memory_space<vmem>> -> memref<1x80xi32, #tpu.memory_space<vmem>>
        %dma_wait3A_127 = tpu.memref_squeeze %dma_wait3A_126 : memref<1x80xi32, #tpu.memory_space<vmem>> -> memref<80xi32, #tpu.memory_space<vmem>>
        %dma_wait3A_128 = arith.constant 0 : i32
        %dma_wait3A_129 = arith.constant 0 : i32
        %dma_wait3A_130 = tpu.memref_slice %arg2[%dma_wait3A_128, %dma_wait3A_129] : memref<10000x128xf32, #tpu.memory_space<hbm>> -> memref<10000x128xf32, #tpu.memory_space<hbm>>
        tpu.wait_indirect_dma semaphore(%arg15 : memref<!tpu.dma_semaphore, #tpu.memory_space<semaphore_mem>>) src(%dma_wait3A_130 : memref<10000x128xf32, #tpu.memory_space<hbm>>) dst(%arg10 : memref<80x128xf32, #tpu.memory_space<vmem>>)
        %dma_start3A_131 = arith.constant 1 : i32
        %dma_start3A_132 = arith.constant 0 : i32
        %dma_start3A_133 = tpu.memref_slice %arg8[%dma_start3A_131, %dma_start3A_132] : memref<4x80xi32, #tpu.memory_space<vmem>> -> memref<1x80xi32, #tpu.memory_space<vmem>>
        %dma_start3A_134 = tpu.memref_squeeze %dma_start3A_133 : memref<1x80xi32, #tpu.memory_space<vmem>> -> memref<80xi32, #tpu.memory_space<vmem>>
        %dma_start3A_135 = arith.constant 0 : i32
        %dma_start3A_136 = arith.constant 0 : i32
        %dma_start3A_137 = tpu.memref_slice %arg13[%dma_start3A_135, %dma_start3A_136] : memref<10000x128xf32, #tpu.memory_space<vmem_shared>> -> memref<10000x128xf32, #tpu.memory_space<vmem_shared>>
        tpu.enqueue_indirect_dma source(%arg10 : memref<80x128xf32, #tpu.memory_space<vmem>>) target(%dma_start3A_137 : memref<10000x128xf32, #tpu.memory_space<vmem_shared>>) offsets(%dma_start3A_134 : memref<80xi32, #tpu.memory_space<vmem>>) semaphore(%arg19 : memref<!tpu.dma_semaphore, #tpu.memory_space<semaphore_mem>>) {add = true}
      } else {
      }
      %mul3A_77 = arith.constant 4 : i32
      %mul3A_78 = arith.muli %mul3A_77, %scan3A_33 : i32
      %add3A_79 = arith.constant 2 : i32
      %add3A_80 = arith.addi %mul3A_78, %add3A_79 : i32
      %ge3A_81 = arith.constant 2 : i32
      %ge3A_82 = arith.cmpi sge, %add3A_80, %ge3A_81 : i32
      %le3A_83 = arith.constant 126 : i32
      %le3A_84 = arith.cmpi sle, %add3A_80, %le3A_83 : i32
      %and3A_85 = arith.andi %ge3A_82, %le3A_84 : i1
      %convert_element_type3A_86 = arith.extui %and3A_85 : i1 to i32
      %cond3A_87 = arith.constant 0 : i32
      %cond3A_88 = arith.cmpi ne, %convert_element_type3A_86, %cond3A_87 : i32
      scf.if %cond3A_88 {
        %dma_wait3A = arith.constant 0 : i32
        %dma_wait3A_125 = arith.constant 0 : i32
        %dma_wait3A_126 = tpu.memref_slice %arg8[%dma_wait3A, %dma_wait3A_125] : memref<4x80xi32, #tpu.memory_space<vmem>> -> memref<1x80xi32, #tpu.memory_space<vmem>>
        %dma_wait3A_127 = tpu.memref_squeeze %dma_wait3A_126 : memref<1x80xi32, #tpu.memory_space<vmem>> -> memref<80xi32, #tpu.memory_space<vmem>>
        %dma_wait3A_128 = arith.constant 0 : i32
        %dma_wait3A_129 = arith.constant 0 : i32
        %dma_wait3A_130 = tpu.memref_slice %arg13[%dma_wait3A_128, %dma_wait3A_129] : memref<10000x128xf32, #tpu.memory_space<vmem_shared>> -> memref<10000x128xf32, #tpu.memory_space<vmem_shared>>
        tpu.wait_indirect_dma semaphore(%arg18 : memref<!tpu.dma_semaphore, #tpu.memory_space<semaphore_mem>>) src(%arg9 : memref<80x128xf32, #tpu.memory_space<vmem>>) dst(%dma_wait3A_130 : memref<10000x128xf32, #tpu.memory_space<vmem_shared>>)
      } else {
      }
      %add3A_89 = arith.constant 2 : i32
      %add3A_90 = arith.addi %add3A_80, %add3A_89 : i32
      %le3A_91 = arith.constant 124 : i32
      %le3A_92 = arith.cmpi sle, %add3A_90, %le3A_91 : i32
      %convert_element_type3A_93 = arith.extui %le3A_92 : i1 to i32
      %cond3A_94 = arith.constant 0 : i32
      %cond3A_95 = arith.cmpi ne, %convert_element_type3A_93, %cond3A_94 : i32
      scf.if %cond3A_95 {
        %add3A_125 = arith.constant 2 : i32
        %add3A_126 = arith.addi %add3A_80, %add3A_125 : i32
        %mul3A_127 = arith.constant 80 : i32
        %mul3A_128 = arith.muli %add3A_126, %mul3A_127 : i32
        %add3A_129 = arith.addi %mul3A_4, %mul3A_128 : i32
        %run_scoped3A_130 = arith.constant 0 : i32
        "tpu.region"() ({
          %run_scoped3A_139 = tpu.sem_alloc : memref<!tpu.dma_semaphore, #tpu.memory_space<semaphore_mem>>
          %dma_start3A_140 = arith.constant 0 : i32
          %dma_start3A_141 = tpu.memref_slice %arg7[%run_scoped3A_130, %dma_start3A_140] : memref<4x80xi32, #tpu.memory_space<vmem>> -> memref<1x80xi32, #tpu.memory_space<vmem>>
          %dma_start3A_142 = tpu.memref_squeeze %dma_start3A_141 : memref<1x80xi32, #tpu.memory_space<vmem>> -> memref<80xi32, #tpu.memory_space<vmem>>
          %dma_start3A_143 = tpu.memref_slice %arg3[%add3A_129] : memref<320000xi32, #tpu.memory_space<hbm>> -> memref<80xi32, #tpu.memory_space<hbm>>
          %dma_start3A_144 = arith.constant 0 : i32
          %dma_start3A_145 = tpu.memref_slice %arg7[%run_scoped3A_130, %dma_start3A_144] : memref<4x80xi32, #tpu.memory_space<vmem>> -> memref<1x80xi32, #tpu.memory_space<vmem>>
          %dma_start3A_146 = tpu.memref_squeeze %dma_start3A_145 : memref<1x80xi32, #tpu.memory_space<vmem>> -> memref<80xi32, #tpu.memory_space<vmem>>
          %dma_start3A_147 = tpu.memref_slice %arg3[%add3A_129] : memref<320000xi32, #tpu.memory_space<hbm>> -> memref<80xi32, #tpu.memory_space<hbm>>
          tpu.enqueue_dma source(%dma_start3A_147 : memref<80xi32, #tpu.memory_space<hbm>>) target(%dma_start3A_146 : memref<80xi32, #tpu.memory_space<vmem>>) target_semaphore(%run_scoped3A_139 : memref<!tpu.dma_semaphore, #tpu.memory_space<semaphore_mem>>)
          %dma_wait3A = arith.constant 0 : i32
          %dma_wait3A_148 = tpu.memref_slice %arg7[%run_scoped3A_130, %dma_wait3A] : memref<4x80xi32, #tpu.memory_space<vmem>> -> memref<1x80xi32, #tpu.memory_space<vmem>>
          %dma_wait3A_149 = tpu.memref_squeeze %dma_wait3A_148 : memref<1x80xi32, #tpu.memory_space<vmem>> -> memref<80xi32, #tpu.memory_space<vmem>>
          %dma_wait3A_150 = tpu.memref_slice %arg3[%add3A_129] : memref<320000xi32, #tpu.memory_space<hbm>> -> memref<80xi32, #tpu.memory_space<hbm>>
          %dma_wait3A_151 = arith.constant 0 : i32
          %dma_wait3A_152 = tpu.memref_slice %arg7[%run_scoped3A_130, %dma_wait3A_151] : memref<4x80xi32, #tpu.memory_space<vmem>> -> memref<1x80xi32, #tpu.memory_space<vmem>>
          %dma_wait3A_153 = tpu.memref_squeeze %dma_wait3A_152 : memref<1x80xi32, #tpu.memory_space<vmem>> -> memref<80xi32, #tpu.memory_space<vmem>>
          %dma_wait3A_154 = tpu.memref_slice %arg3[%add3A_129] : memref<320000xi32, #tpu.memory_space<hbm>> -> memref<80xi32, #tpu.memory_space<hbm>>
          tpu.wait_dma2 semaphore(%run_scoped3A_139 : memref<!tpu.dma_semaphore, #tpu.memory_space<semaphore_mem>>) src(%dma_wait3A_154 : memref<80xi32, #tpu.memory_space<hbm>>) dst(%dma_wait3A_153 : memref<80xi32, #tpu.memory_space<vmem>>)
          tpu.yield
        }) : () -> ()
        %run_scoped3A_131 = arith.constant 0 : i32
        "tpu.region"() ({
          %run_scoped3A_139 = tpu.sem_alloc : memref<!tpu.dma_semaphore, #tpu.memory_space<semaphore_mem>>
          %dma_start3A_140 = arith.constant 0 : i32
          %dma_start3A_141 = tpu.memref_slice %arg8[%run_scoped3A_131, %dma_start3A_140] : memref<4x80xi32, #tpu.memory_space<vmem>> -> memref<1x80xi32, #tpu.memory_space<vmem>>
          %dma_start3A_142 = tpu.memref_squeeze %dma_start3A_141 : memref<1x80xi32, #tpu.memory_space<vmem>> -> memref<80xi32, #tpu.memory_space<vmem>>
          %dma_start3A_143 = tpu.memref_slice %arg4[%add3A_129] : memref<320000xi32, #tpu.memory_space<hbm>> -> memref<80xi32, #tpu.memory_space<hbm>>
          %dma_start3A_144 = arith.constant 0 : i32
          %dma_start3A_145 = tpu.memref_slice %arg8[%run_scoped3A_131, %dma_start3A_144] : memref<4x80xi32, #tpu.memory_space<vmem>> -> memref<1x80xi32, #tpu.memory_space<vmem>>
          %dma_start3A_146 = tpu.memref_squeeze %dma_start3A_145 : memref<1x80xi32, #tpu.memory_space<vmem>> -> memref<80xi32, #tpu.memory_space<vmem>>
          %dma_start3A_147 = tpu.memref_slice %arg4[%add3A_129] : memref<320000xi32, #tpu.memory_space<hbm>> -> memref<80xi32, #tpu.memory_space<hbm>>
          tpu.enqueue_dma source(%dma_start3A_147 : memref<80xi32, #tpu.memory_space<hbm>>) target(%dma_start3A_146 : memref<80xi32, #tpu.memory_space<vmem>>) target_semaphore(%run_scoped3A_139 : memref<!tpu.dma_semaphore, #tpu.memory_space<semaphore_mem>>)
          %dma_wait3A = arith.constant 0 : i32
          %dma_wait3A_148 = tpu.memref_slice %arg8[%run_scoped3A_131, %dma_wait3A] : memref<4x80xi32, #tpu.memory_space<vmem>> -> memref<1x80xi32, #tpu.memory_space<vmem>>
          %dma_wait3A_149 = tpu.memref_squeeze %dma_wait3A_148 : memref<1x80xi32, #tpu.memory_space<vmem>> -> memref<80xi32, #tpu.memory_space<vmem>>
          %dma_wait3A_150 = tpu.memref_slice %arg4[%add3A_129] : memref<320000xi32, #tpu.memory_space<hbm>> -> memref<80xi32, #tpu.memory_space<hbm>>
          %dma_wait3A_151 = arith.constant 0 : i32
          %dma_wait3A_152 = tpu.memref_slice %arg8[%run_scoped3A_131, %dma_wait3A_151] : memref<4x80xi32, #tpu.memory_space<vmem>> -> memref<1x80xi32, #tpu.memory_space<vmem>>
          %dma_wait3A_153 = tpu.memref_squeeze %dma_wait3A_152 : memref<1x80xi32, #tpu.memory_space<vmem>> -> memref<80xi32, #tpu.memory_space<vmem>>
          %dma_wait3A_154 = tpu.memref_slice %arg4[%add3A_129] : memref<320000xi32, #tpu.memory_space<hbm>> -> memref<80xi32, #tpu.memory_space<hbm>>
          tpu.wait_dma2 semaphore(%run_scoped3A_139 : memref<!tpu.dma_semaphore, #tpu.memory_space<semaphore_mem>>) src(%dma_wait3A_154 : memref<80xi32, #tpu.memory_space<hbm>>) dst(%dma_wait3A_153 : memref<80xi32, #tpu.memory_space<vmem>>)
          tpu.yield
        }) : () -> ()
        %dma_start3A_132 = arith.constant 0 : i32
        %dma_start3A_133 = arith.constant 0 : i32
        %dma_start3A_134 = tpu.memref_slice %arg7[%dma_start3A_132, %dma_start3A_133] : memref<4x80xi32, #tpu.memory_space<vmem>> -> memref<1x80xi32, #tpu.memory_space<vmem>>
        %dma_start3A_135 = tpu.memref_squeeze %dma_start3A_134 : memref<1x80xi32, #tpu.memory_space<vmem>> -> memref<80xi32, #tpu.memory_space<vmem>>
        %dma_start3A_136 = arith.constant 0 : i32
        %dma_start3A_137 = arith.constant 0 : i32
        %dma_start3A_138 = tpu.memref_slice %arg2[%dma_start3A_136, %dma_start3A_137] : memref<10000x128xf32, #tpu.memory_space<hbm>> -> memref<10000x128xf32, #tpu.memory_space<hbm>>
        tpu.enqueue_indirect_dma source(%dma_start3A_138 : memref<10000x128xf32, #tpu.memory_space<hbm>>) target(%arg9 : memref<80x128xf32, #tpu.memory_space<vmem>>) offsets(%dma_start3A_135 : memref<80xi32, #tpu.memory_space<vmem>>) semaphore(%arg14 : memref<!tpu.dma_semaphore, #tpu.memory_space<semaphore_mem>>)
      } else {
      }
      %le3A_96 = arith.constant 124 : i32
      %le3A_97 = arith.cmpi sle, %add3A_80, %le3A_96 : i32
      %convert_element_type3A_98 = arith.extui %le3A_97 : i1 to i32
      %cond3A_99 = arith.constant 0 : i32
      %cond3A_100 = arith.cmpi ne, %convert_element_type3A_98, %cond3A_99 : i32
      scf.if %cond3A_100 {
        %dma_wait3A = arith.constant 2 : i32
        %dma_wait3A_125 = arith.constant 0 : i32
        %dma_wait3A_126 = tpu.memref_slice %arg7[%dma_wait3A, %dma_wait3A_125] : memref<4x80xi32, #tpu.memory_space<vmem>> -> memref<1x80xi32, #tpu.memory_space<vmem>>
        %dma_wait3A_127 = tpu.memref_squeeze %dma_wait3A_126 : memref<1x80xi32, #tpu.memory_space<vmem>> -> memref<80xi32, #tpu.memory_space<vmem>>
        %dma_wait3A_128 = arith.constant 0 : i32
        %dma_wait3A_129 = arith.constant 0 : i32
        %dma_wait3A_130 = tpu.memref_slice %arg2[%dma_wait3A_128, %dma_wait3A_129] : memref<10000x128xf32, #tpu.memory_space<hbm>> -> memref<10000x128xf32, #tpu.memory_space<hbm>>
        tpu.wait_indirect_dma semaphore(%arg16 : memref<!tpu.dma_semaphore, #tpu.memory_space<semaphore_mem>>) src(%dma_wait3A_130 : memref<10000x128xf32, #tpu.memory_space<hbm>>) dst(%arg11 : memref<80x128xf32, #tpu.memory_space<vmem>>)
        %dma_start3A_131 = arith.constant 2 : i32
        %dma_start3A_132 = arith.constant 0 : i32
        %dma_start3A_133 = tpu.memref_slice %arg8[%dma_start3A_131, %dma_start3A_132] : memref<4x80xi32, #tpu.memory_space<vmem>> -> memref<1x80xi32, #tpu.memory_space<vmem>>
        %dma_start3A_134 = tpu.memref_squeeze %dma_start3A_133 : memref<1x80xi32, #tpu.memory_space<vmem>> -> memref<80xi32, #tpu.memory_space<vmem>>
        %dma_start3A_135 = arith.constant 0 : i32
        %dma_start3A_136 = arith.constant 0 : i32
        %dma_start3A_137 = tpu.memref_slice %arg13[%dma_start3A_135, %dma_start3A_136] : memref<10000x128xf32, #tpu.memory_space<vmem_shared>> -> memref<10000x128xf32, #tpu.memory_space<vmem_shared>>
        tpu.enqueue_indirect_dma source(%arg11 : memref<80x128xf32, #tpu.memory_space<vmem>>) target(%dma_start3A_137 : memref<10000x128xf32, #tpu.memory_space<vmem_shared>>) offsets(%dma_start3A_134 : memref<80xi32, #tpu.memory_space<vmem>>) semaphore(%arg20 : memref<!tpu.dma_semaphore, #tpu.memory_space<semaphore_mem>>) {add = true}
      } else {
      }
      %mul3A_101 = arith.constant 4 : i32
      %mul3A_102 = arith.muli %mul3A_101, %scan3A_33 : i32
      %add3A_103 = arith.constant 3 : i32
      %add3A_104 = arith.addi %mul3A_102, %add3A_103 : i32
      %ge3A_105 = arith.constant 2 : i32
      %ge3A_106 = arith.cmpi sge, %add3A_104, %ge3A_105 : i32
      %le3A_107 = arith.constant 126 : i32
      %le3A_108 = arith.cmpi sle, %add3A_104, %le3A_107 : i32
      %and3A_109 = arith.andi %ge3A_106, %le3A_108 : i1
      %convert_element_type3A_110 = arith.extui %and3A_109 : i1 to i32
      %cond3A_111 = arith.constant 0 : i32
      %cond3A_112 = arith.cmpi ne, %convert_element_type3A_110, %cond3A_111 : i32
      scf.if %cond3A_112 {
        %dma_wait3A = arith.constant 1 : i32
        %dma_wait3A_125 = arith.constant 0 : i32
        %dma_wait3A_126 = tpu.memref_slice %arg8[%dma_wait3A, %dma_wait3A_125] : memref<4x80xi32, #tpu.memory_space<vmem>> -> memref<1x80xi32, #tpu.memory_space<vmem>>
        %dma_wait3A_127 = tpu.memref_squeeze %dma_wait3A_126 : memref<1x80xi32, #tpu.memory_space<vmem>> -> memref<80xi32, #tpu.memory_space<vmem>>
        %dma_wait3A_128 = arith.constant 0 : i32
        %dma_wait3A_129 = arith.constant 0 : i32
        %dma_wait3A_130 = tpu.memref_slice %arg13[%dma_wait3A_128, %dma_wait3A_129] : memref<10000x128xf32, #tpu.memory_space<vmem_shared>> -> memref<10000x128xf32, #tpu.memory_space<vmem_shared>>
        tpu.wait_indirect_dma semaphore(%arg19 : memref<!tpu.dma_semaphore, #tpu.memory_space<semaphore_mem>>) src(%arg10 : memref<80x128xf32, #tpu.memory_space<vmem>>) dst(%dma_wait3A_130 : memref<10000x128xf32, #tpu.memory_space<vmem_shared>>)
      } else {
      }
      %add3A_113 = arith.constant 2 : i32
      %add3A_114 = arith.addi %add3A_104, %add3A_113 : i32
      %le3A_115 = arith.constant 124 : i32
      %le3A_116 = arith.cmpi sle, %add3A_114, %le3A_115 : i32
      %convert_element_type3A_117 = arith.extui %le3A_116 : i1 to i32
      %cond3A_118 = arith.constant 0 : i32
      %cond3A_119 = arith.cmpi ne, %convert_element_type3A_117, %cond3A_118 : i32
      scf.if %cond3A_119 {
        %add3A_125 = arith.constant 2 : i32
        %add3A_126 = arith.addi %add3A_104, %add3A_125 : i32
        %mul3A_127 = arith.constant 80 : i32
        %mul3A_128 = arith.muli %add3A_126, %mul3A_127 : i32
        %add3A_129 = arith.addi %mul3A_4, %mul3A_128 : i32
        %run_scoped3A_130 = arith.constant 1 : i32
        "tpu.region"() ({
          %run_scoped3A_139 = tpu.sem_alloc : memref<!tpu.dma_semaphore, #tpu.memory_space<semaphore_mem>>
          %dma_start3A_140 = arith.constant 0 : i32
          %dma_start3A_141 = tpu.memref_slice %arg7[%run_scoped3A_130, %dma_start3A_140] : memref<4x80xi32, #tpu.memory_space<vmem>> -> memref<1x80xi32, #tpu.memory_space<vmem>>
          %dma_start3A_142 = tpu.memref_squeeze %dma_start3A_141 : memref<1x80xi32, #tpu.memory_space<vmem>> -> memref<80xi32, #tpu.memory_space<vmem>>
          %dma_start3A_143 = tpu.memref_slice %arg3[%add3A_129] : memref<320000xi32, #tpu.memory_space<hbm>> -> memref<80xi32, #tpu.memory_space<hbm>>
          %dma_start3A_144 = arith.constant 0 : i32
          %dma_start3A_145 = tpu.memref_slice %arg7[%run_scoped3A_130, %dma_start3A_144] : memref<4x80xi32, #tpu.memory_space<vmem>> -> memref<1x80xi32, #tpu.memory_space<vmem>>
          %dma_start3A_146 = tpu.memref_squeeze %dma_start3A_145 : memref<1x80xi32, #tpu.memory_space<vmem>> -> memref<80xi32, #tpu.memory_space<vmem>>
          %dma_start3A_147 = tpu.memref_slice %arg3[%add3A_129] : memref<320000xi32, #tpu.memory_space<hbm>> -> memref<80xi32, #tpu.memory_space<hbm>>
          tpu.enqueue_dma source(%dma_start3A_147 : memref<80xi32, #tpu.memory_space<hbm>>) target(%dma_start3A_146 : memref<80xi32, #tpu.memory_space<vmem>>) target_semaphore(%run_scoped3A_139 : memref<!tpu.dma_semaphore, #tpu.memory_space<semaphore_mem>>)
          %dma_wait3A = arith.constant 0 : i32
          %dma_wait3A_148 = tpu.memref_slice %arg7[%run_scoped3A_130, %dma_wait3A] : memref<4x80xi32, #tpu.memory_space<vmem>> -> memref<1x80xi32, #tpu.memory_space<vmem>>
          %dma_wait3A_149 = tpu.memref_squeeze %dma_wait3A_148 : memref<1x80xi32, #tpu.memory_space<vmem>> -> memref<80xi32, #tpu.memory_space<vmem>>
          %dma_wait3A_150 = tpu.memref_slice %arg3[%add3A_129] : memref<320000xi32, #tpu.memory_space<hbm>> -> memref<80xi32, #tpu.memory_space<hbm>>
          %dma_wait3A_151 = arith.constant 0 : i32
          %dma_wait3A_152 = tpu.memref_slice %arg7[%run_scoped3A_130, %dma_wait3A_151] : memref<4x80xi32, #tpu.memory_space<vmem>> -> memref<1x80xi32, #tpu.memory_space<vmem>>
          %dma_wait3A_153 = tpu.memref_squeeze %dma_wait3A_152 : memref<1x80xi32, #tpu.memory_space<vmem>> -> memref<80xi32, #tpu.memory_space<vmem>>
          %dma_wait3A_154 = tpu.memref_slice %arg3[%add3A_129] : memref<320000xi32, #tpu.memory_space<hbm>> -> memref<80xi32, #tpu.memory_space<hbm>>
          tpu.wait_dma2 semaphore(%run_scoped3A_139 : memref<!tpu.dma_semaphore, #tpu.memory_space<semaphore_mem>>) src(%dma_wait3A_154 : memref<80xi32, #tpu.memory_space<hbm>>) dst(%dma_wait3A_153 : memref<80xi32, #tpu.memory_space<vmem>>)
          tpu.yield
        }) : () -> ()
        %run_scoped3A_131 = arith.constant 1 : i32
        "tpu.region"() ({
          %run_scoped3A_139 = tpu.sem_alloc : memref<!tpu.dma_semaphore, #tpu.memory_space<semaphore_mem>>
          %dma_start3A_140 = arith.constant 0 : i32
          %dma_start3A_141 = tpu.memref_slice %arg8[%run_scoped3A_131, %dma_start3A_140] : memref<4x80xi32, #tpu.memory_space<vmem>> -> memref<1x80xi32, #tpu.memory_space<vmem>>
          %dma_start3A_142 = tpu.memref_squeeze %dma_start3A_141 : memref<1x80xi32, #tpu.memory_space<vmem>> -> memref<80xi32, #tpu.memory_space<vmem>>
          %dma_start3A_143 = tpu.memref_slice %arg4[%add3A_129] : memref<320000xi32, #tpu.memory_space<hbm>> -> memref<80xi32, #tpu.memory_space<hbm>>
          %dma_start3A_144 = arith.constant 0 : i32
          %dma_start3A_145 = tpu.memref_slice %arg8[%run_scoped3A_131, %dma_start3A_144] : memref<4x80xi32, #tpu.memory_space<vmem>> -> memref<1x80xi32, #tpu.memory_space<vmem>>
          %dma_start3A_146 = tpu.memref_squeeze %dma_start3A_145 : memref<1x80xi32, #tpu.memory_space<vmem>> -> memref<80xi32, #tpu.memory_space<vmem>>
          %dma_start3A_147 = tpu.memref_slice %arg4[%add3A_129] : memref<320000xi32, #tpu.memory_space<hbm>> -> memref<80xi32, #tpu.memory_space<hbm>>
          tpu.enqueue_dma source(%dma_start3A_147 : memref<80xi32, #tpu.memory_space<hbm>>) target(%dma_start3A_146 : memref<80xi32, #tpu.memory_space<vmem>>) target_semaphore(%run_scoped3A_139 : memref<!tpu.dma_semaphore, #tpu.memory_space<semaphore_mem>>)
          %dma_wait3A = arith.constant 0 : i32
          %dma_wait3A_148 = tpu.memref_slice %arg8[%run_scoped3A_131, %dma_wait3A] : memref<4x80xi32, #tpu.memory_space<vmem>> -> memref<1x80xi32, #tpu.memory_space<vmem>>
          %dma_wait3A_149 = tpu.memref_squeeze %dma_wait3A_148 : memref<1x80xi32, #tpu.memory_space<vmem>> -> memref<80xi32, #tpu.memory_space<vmem>>
          %dma_wait3A_150 = tpu.memref_slice %arg4[%add3A_129] : memref<320000xi32, #tpu.memory_space<hbm>> -> memref<80xi32, #tpu.memory_space<hbm>>
          %dma_wait3A_151 = arith.constant 0 : i32
          %dma_wait3A_152 = tpu.memref_slice %arg8[%run_scoped3A_131, %dma_wait3A_151] : memref<4x80xi32, #tpu.memory_space<vmem>> -> memref<1x80xi32, #tpu.memory_space<vmem>>
          %dma_wait3A_153 = tpu.memref_squeeze %dma_wait3A_152 : memref<1x80xi32, #tpu.memory_space<vmem>> -> memref<80xi32, #tpu.memory_space<vmem>>
          %dma_wait3A_154 = tpu.memref_slice %arg4[%add3A_129] : memref<320000xi32, #tpu.memory_space<hbm>> -> memref<80xi32, #tpu.memory_space<hbm>>
          tpu.wait_dma2 semaphore(%run_scoped3A_139 : memref<!tpu.dma_semaphore, #tpu.memory_space<semaphore_mem>>) src(%dma_wait3A_154 : memref<80xi32, #tpu.memory_space<hbm>>) dst(%dma_wait3A_153 : memref<80xi32, #tpu.memory_space<vmem>>)
          tpu.yield
        }) : () -> ()
        %dma_start3A_132 = arith.constant 1 : i32
        %dma_start3A_133 = arith.constant 0 : i32
        %dma_start3A_134 = tpu.memref_slice %arg7[%dma_start3A_132, %dma_start3A_133] : memref<4x80xi32, #tpu.memory_space<vmem>> -> memref<1x80xi32, #tpu.memory_space<vmem>>
        %dma_start3A_135 = tpu.memref_squeeze %dma_start3A_134 : memref<1x80xi32, #tpu.memory_space<vmem>> -> memref<80xi32, #tpu.memory_space<vmem>>
        %dma_start3A_136 = arith.constant 0 : i32
        %dma_start3A_137 = arith.constant 0 : i32
        %dma_start3A_138 = tpu.memref_slice %arg2[%dma_start3A_136, %dma_start3A_137] : memref<10000x128xf32, #tpu.memory_space<hbm>> -> memref<10000x128xf32, #tpu.memory_space<hbm>>
        tpu.enqueue_indirect_dma source(%dma_start3A_138 : memref<10000x128xf32, #tpu.memory_space<hbm>>) target(%arg10 : memref<80x128xf32, #tpu.memory_space<vmem>>) offsets(%dma_start3A_135 : memref<80xi32, #tpu.memory_space<vmem>>) semaphore(%arg15 : memref<!tpu.dma_semaphore, #tpu.memory_space<semaphore_mem>>)
      } else {
      }
      %le3A_120 = arith.constant 124 : i32
      %le3A_121 = arith.cmpi sle, %add3A_104, %le3A_120 : i32
      %convert_element_type3A_122 = arith.extui %le3A_121 : i1 to i32
      %cond3A_123 = arith.constant 0 : i32
      %cond3A_124 = arith.cmpi ne, %convert_element_type3A_122, %cond3A_123 : i32
      scf.if %cond3A_124 {
        %dma_wait3A = arith.constant 3 : i32
        %dma_wait3A_125 = arith.constant 0 : i32
        %dma_wait3A_126 = tpu.memref_slice %arg7[%dma_wait3A, %dma_wait3A_125] : memref<4x80xi32, #tpu.memory_space<vmem>> -> memref<1x80xi32, #tpu.memory_space<vmem>>
        %dma_wait3A_127 = tpu.memref_squeeze %dma_wait3A_126 : memref<1x80xi32, #tpu.memory_space<vmem>> -> memref<80xi32, #tpu.memory_space<vmem>>
        %dma_wait3A_128 = arith.constant 0 : i32
        %dma_wait3A_129 = arith.constant 0 : i32
        %dma_wait3A_130 = tpu.memref_slice %arg2[%dma_wait3A_128, %dma_wait3A_129] : memref<10000x128xf32, #tpu.memory_space<hbm>> -> memref<10000x128xf32, #tpu.memory_space<hbm>>
        tpu.wait_indirect_dma semaphore(%arg17 : memref<!tpu.dma_semaphore, #tpu.memory_space<semaphore_mem>>) src(%dma_wait3A_130 : memref<10000x128xf32, #tpu.memory_space<hbm>>) dst(%arg12 : memref<80x128xf32, #tpu.memory_space<vmem>>)
        %dma_start3A_131 = arith.constant 3 : i32
        %dma_start3A_132 = arith.constant 0 : i32
        %dma_start3A_133 = tpu.memref_slice %arg8[%dma_start3A_131, %dma_start3A_132] : memref<4x80xi32, #tpu.memory_space<vmem>> -> memref<1x80xi32, #tpu.memory_space<vmem>>
        %dma_start3A_134 = tpu.memref_squeeze %dma_start3A_133 : memref<1x80xi32, #tpu.memory_space<vmem>> -> memref<80xi32, #tpu.memory_space<vmem>>
        %dma_start3A_135 = arith.constant 0 : i32
        %dma_start3A_136 = arith.constant 0 : i32
        %dma_start3A_137 = tpu.memref_slice %arg13[%dma_start3A_135, %dma_start3A_136] : memref<10000x128xf32, #tpu.memory_space<vmem_shared>> -> memref<10000x128xf32, #tpu.memory_space<vmem_shared>>
        tpu.enqueue_indirect_dma source(%arg12 : memref<80x128xf32, #tpu.memory_space<vmem>>) target(%dma_start3A_137 : memref<10000x128xf32, #tpu.memory_space<vmem_shared>>) offsets(%dma_start3A_134 : memref<80xi32, #tpu.memory_space<vmem>>) semaphore(%arg21 : memref<!tpu.dma_semaphore, #tpu.memory_space<semaphore_mem>>) {add = true}
      } else {
      }
    }
    %scan3A_29 = arith.constant 32 : i32
    %barrier3A_30 = arith.constant 0 : index
    tpu.barrier barrier_id(%barrier3A_30)
    %mul3A_31 = arith.constant 625 : i32
    %mul3A_32 = arith.muli %arg1, %mul3A_31 : i32
    "tpu.region"() ({
      %run_scoped3A_33 = tpu.sem_alloc : memref<!tpu.dma_semaphore, #tpu.memory_space<semaphore_mem>>
      %dma_start3A_34 = arith.constant 0 : i32
      %dma_start3A_35 = arith.constant 0 : i32
      %dma_start3A_36 = tpu.memref_slice %arg6[%arg0, %arg1, %dma_start3A_34, %dma_start3A_35] : memref<2x16x625x128xf32, #tpu.memory_space<hbm>> -> memref<1x1x625x128xf32, #tpu.memory_space<hbm>>
      %dma_start3A_37 = tpu.memref_squeeze %dma_start3A_36 : memref<1x1x625x128xf32, #tpu.memory_space<hbm>> -> memref<625x128xf32, #tpu.memory_space<hbm>>
      %dma_start3A_38 = arith.constant 0 : i32
      %dma_start3A_39 = tpu.memref_slice %arg13[%mul3A_32, %dma_start3A_38] : memref<10000x128xf32, #tpu.memory_space<vmem_shared>> -> memref<625x128xf32, #tpu.memory_space<vmem_shared>>
      tpu.enqueue_dma source(%dma_start3A_39 : memref<625x128xf32, #tpu.memory_space<vmem_shared>>) target(%dma_start3A_37 : memref<625x128xf32, #tpu.memory_space<hbm>>) target_semaphore(%run_scoped3A_33 : memref<!tpu.dma_semaphore, #tpu.memory_space<semaphore_mem>>)
      %dma_wait3A = arith.constant 0 : i32
      %dma_wait3A_40 = arith.constant 0 : i32
      %dma_wait3A_41 = tpu.memref_slice %arg6[%arg0, %arg1, %dma_wait3A, %dma_wait3A_40] : memref<2x16x625x128xf32, #tpu.memory_space<hbm>> -> memref<1x1x625x128xf32, #tpu.memory_space<hbm>>
      %dma_wait3A_42 = tpu.memref_squeeze %dma_wait3A_41 : memref<1x1x625x128xf32, #tpu.memory_space<hbm>> -> memref<625x128xf32, #tpu.memory_space<hbm>>
      %dma_wait3A_43 = arith.constant 0 : i32
      %dma_wait3A_44 = tpu.memref_slice %arg13[%mul3A_32, %dma_wait3A_43] : memref<10000x128xf32, #tpu.memory_space<vmem_shared>> -> memref<625x128xf32, #tpu.memory_space<vmem_shared>>
      tpu.wait_dma2 semaphore(%run_scoped3A_33 : memref<!tpu.dma_semaphore, #tpu.memory_space<semaphore_mem>>) src(%dma_wait3A_44 : memref<625x128xf32, #tpu.memory_space<vmem_shared>>) dst(%dma_wait3A_42 : memref<625x128xf32, #tpu.memory_space<hbm>>)
      tpu.yield
    }) : () -> ()
    return
  }
}

module attributes {stable_mosaic.version = 14 : i64} {
  func.func @_linear_body(%arg0: i32, %arg1: memref<1000x128xf32, #tpu.memory_space<vmem>>, %arg2: memref<1000x128xf32, #tpu.memory_space<vmem>>, %arg3: memref<1000x128xf32, #tpu.memory_space<vmem>>, %arg4: memref<128x128xf32, #tpu.memory_space<vmem>>, %arg5: memref<1x128xf32, #tpu.memory_space<vmem>>, %arg6: memref<1000x128xf32, #tpu.memory_space<vmem>>) attributes {dimension_semantics = [#tpu.dimension_semantics<arbitrary>], iteration_bounds = array<i64: 10>, scalar_prefetch = 0 : i64, scratch_operands = 0 : i64, tpu.core_type = #tpu.core_type<tc>, window_params = [{transform_indices = @transform_0, window_bounds = array<i64: 1000, 128>}, {transform_indices = @transform_1, window_bounds = array<i64: 1000, 128>}, {transform_indices = @transform_2, window_bounds = array<i64: 1000, 128>}, {pipeline_mode = #tpu.pipeline_mode<synchronous>, transform_indices = @transform_3, window_bounds = array<i64: 128, 128>}, {pipeline_mode = #tpu.pipeline_mode<synchronous>, transform_indices = @transform_4, window_bounds = array<i64: 1, 128>}, {transform_indices = @transform_5, window_bounds = array<i64: 1000, 128>}]} {
    %get3A = arith.constant 0 : index
    %get3A_0 = arith.constant 0 : index
    %get3A_1 = vector.load %arg1[%get3A, %get3A_0] : memref<1000x128xf32, #tpu.memory_space<vmem>>, vector<1000x128xf32>
    %get3A_2 = arith.constant 0 : index
    %get3A_3 = arith.constant 0 : index
    %get3A_4 = vector.load %arg2[%get3A_2, %get3A_3] : memref<1000x128xf32, #tpu.memory_space<vmem>>, vector<1000x128xf32>
    %add3A = arith.addf %get3A_1, %get3A_4 : vector<1000x128xf32>
    %get3A_5 = arith.constant 0 : index
    %get3A_6 = arith.constant 0 : index
    %get3A_7 = vector.load %arg3[%get3A_5, %get3A_6] : memref<1000x128xf32, #tpu.memory_space<vmem>>, vector<1000x128xf32>
    %add3A_8 = arith.addf %add3A, %get3A_7 : vector<1000x128xf32>
    %get3A_9 = arith.constant 0 : index
    %get3A_10 = arith.constant 0 : index
    %get3A_11 = vector.load %arg4[%get3A_9, %get3A_10] : memref<128x128xf32, #tpu.memory_space<vmem>>, vector<128x128xf32>
    %dot_general3A = arith.constant dense<0.000000e+00> : vector<1000x128xf32>
    %dot_general3A_12 = tpu.matmul %add3A_8, %get3A_11, %dot_general3A {dimension_numbers = #tpu.dot_dimension_numbers<[1], [1], [0], [0], [0, 0, 1, 0], [], []>, transpose_lhs_hint = false} : vector<1000x128xf32>, vector<128x128xf32>, vector<1000x128xf32> -> vector<1000x128xf32>
    %get3A_13 = arith.constant 0 : index
    %get3A_14 = arith.constant 0 : index
    %get3A_15 = vector.load %arg5[%get3A_13, %get3A_14] : memref<1x128xf32, #tpu.memory_space<vmem>>, vector<1x128xf32>
    %add3A_16 = vector.broadcast %get3A_15 : vector<1x128xf32> to vector<1000x128xf32>
    %add3A_17 = arith.addf %dot_general3A_12, %add3A_16 : vector<1000x128xf32>
    %max3A = arith.constant 0.000000e+00 : f32
    %max3A_18 = vector.broadcast %max3A : f32 to vector<1000x128xf32>
    %max3A_19 = arith.maximumf %add3A_17, %max3A_18 : vector<1000x128xf32>
    %swap3A = arith.constant 0 : index
    %swap3A_20 = arith.constant 0 : index
    %swap3A_21 = vector.load %arg6[%swap3A, %swap3A_20] : memref<1000x128xf32, #tpu.memory_space<vmem>>, vector<1000x128xf32>
    tpu.vector_store %arg6[%swap3A, %swap3A_20], %max3A_19 {strides = array<i32>} : memref<1000x128xf32, #tpu.memory_space<vmem>>, vector<1000x128xf32>,
    return
  }
  func.func @transform_0(%arg0: i32) -> (i32, i32) {
    %c0_i32 = arith.constant 0 : i32
    %c0_i32_0 = arith.constant 0 : i32
    return %arg0, %c0_i32 : i32, i32
  }
  func.func @transform_1(%arg0: i32) -> (i32, i32) {
    %c0_i32 = arith.constant 0 : i32
    %c0_i32_0 = arith.constant 0 : i32
    return %arg0, %c0_i32 : i32, i32
  }
  func.func @transform_2(%arg0: i32) -> (i32, i32) {
    %c0_i32 = arith.constant 0 : i32
    %c0_i32_0 = arith.constant 0 : i32
    return %arg0, %c0_i32 : i32, i32
  }
  func.func @transform_3(%arg0: i32) -> (i32, i32) {
    %c0_i32 = arith.constant 0 : i32
    %c0_i32_0 = arith.constant 0 : i32
    %c0_i32_1 = arith.constant 0 : i32
    return %c0_i32, %c0_i32_0 : i32, i32
  }
  func.func @transform_4(%arg0: i32) -> (i32, i32) {
    %c0_i32 = arith.constant 0 : i32
    %c0_i32_0 = arith.constant 0 : i32
    %c0_i32_1 = arith.constant 0 : i32
    return %c0_i32, %c0_i32_0 : i32, i32
  }
  func.func @transform_5(%arg0: i32) -> (i32, i32) {
    %c0_i32 = arith.constant 0 : i32
    %c0_i32_0 = arith.constant 0 : i32
    return %arg0, %c0_i32 : i32, i32
  }
}

module attributes {stable_mosaic.version = 14 : i64} {
  func.func @_final_body(%arg0: i32, %arg1: memref<1000x128xf32, #tpu.memory_space<vmem>>, %arg2: memref<1000x128xf32, #tpu.memory_space<vmem>>, %arg3: memref<1000x128xf32, #tpu.memory_space<vmem>>, %arg4: memref<128x128xf32, #tpu.memory_space<vmem>>, %arg5: memref<1x128xf32, #tpu.memory_space<vmem>>, %arg6: memref<128x128xf32, #tpu.memory_space<vmem>>, %arg7: memref<1x128xf32, #tpu.memory_space<vmem>>, %arg8: memref<1000x128xf32, #tpu.memory_space<vmem>>) attributes {dimension_semantics = [#tpu.dimension_semantics<arbitrary>], iteration_bounds = array<i64: 10>, scalar_prefetch = 0 : i64, scratch_operands = 0 : i64, tpu.core_type = #tpu.core_type<tc>, window_params = [{transform_indices = @transform_0, window_bounds = array<i64: 1000, 128>}, {transform_indices = @transform_1, window_bounds = array<i64: 1000, 128>}, {transform_indices = @transform_2, window_bounds = array<i64: 1000, 128>}, {pipeline_mode = #tpu.pipeline_mode<synchronous>, transform_indices = @transform_3, window_bounds = array<i64: 128, 128>}, {pipeline_mode = #tpu.pipeline_mode<synchronous>, transform_indices = @transform_4, window_bounds = array<i64: 1, 128>}, {pipeline_mode = #tpu.pipeline_mode<synchronous>, transform_indices = @transform_5, window_bounds = array<i64: 128, 128>}, {pipeline_mode = #tpu.pipeline_mode<synchronous>, transform_indices = @transform_6, window_bounds = array<i64: 1, 128>}, {transform_indices = @transform_7, window_bounds = array<i64: 1000, 128>}]} {
    %get3A = arith.constant 0 : index
    %get3A_0 = arith.constant 0 : index
    %get3A_1 = vector.load %arg1[%get3A, %get3A_0] : memref<1000x128xf32, #tpu.memory_space<vmem>>, vector<1000x128xf32>
    %get3A_2 = arith.constant 0 : index
    %get3A_3 = arith.constant 0 : index
    %get3A_4 = vector.load %arg2[%get3A_2, %get3A_3] : memref<1000x128xf32, #tpu.memory_space<vmem>>, vector<1000x128xf32>
    %add3A = arith.addf %get3A_1, %get3A_4 : vector<1000x128xf32>
    %get3A_5 = arith.constant 0 : index
    %get3A_6 = arith.constant 0 : index
    %get3A_7 = vector.load %arg3[%get3A_5, %get3A_6] : memref<1000x128xf32, #tpu.memory_space<vmem>>, vector<1000x128xf32>
    %add3A_8 = arith.addf %add3A, %get3A_7 : vector<1000x128xf32>
    %get3A_9 = arith.constant 0 : index
    %get3A_10 = arith.constant 0 : index
    %get3A_11 = vector.load %arg4[%get3A_9, %get3A_10] : memref<128x128xf32, #tpu.memory_space<vmem>>, vector<128x128xf32>
    %dot_general3A = arith.constant dense<0.000000e+00> : vector<1000x128xf32>
    %dot_general3A_12 = tpu.matmul %add3A_8, %get3A_11, %dot_general3A {dimension_numbers = #tpu.dot_dimension_numbers<[1], [1], [0], [0], [0, 0, 1, 0], [], []>, transpose_lhs_hint = false} : vector<1000x128xf32>, vector<128x128xf32>, vector<1000x128xf32> -> vector<1000x128xf32>
    %get3A_13 = arith.constant 0 : index
    %get3A_14 = arith.constant 0 : index
    %get3A_15 = vector.load %arg5[%get3A_13, %get3A_14] : memref<1x128xf32, #tpu.memory_space<vmem>>, vector<1x128xf32>
    %add3A_16 = vector.broadcast %get3A_15 : vector<1x128xf32> to vector<1000x128xf32>
    %add3A_17 = arith.addf %dot_general3A_12, %add3A_16 : vector<1000x128xf32>
    %max3A = arith.constant 0.000000e+00 : f32
    %max3A_18 = vector.broadcast %max3A : f32 to vector<1000x128xf32>
    %max3A_19 = arith.maximumf %add3A_17, %max3A_18 : vector<1000x128xf32>
    %get3A_20 = arith.constant 0 : index
    %get3A_21 = arith.constant 0 : index
    %get3A_22 = vector.load %arg6[%get3A_20, %get3A_21] : memref<128x128xf32, #tpu.memory_space<vmem>>, vector<128x128xf32>
    %dot_general3A_23 = arith.constant dense<0.000000e+00> : vector<1000x128xf32>
    %dot_general3A_24 = tpu.matmul %max3A_19, %get3A_22, %dot_general3A_23 {dimension_numbers = #tpu.dot_dimension_numbers<[1], [1], [0], [0], [0, 0, 1, 0], [], []>, transpose_lhs_hint = false} : vector<1000x128xf32>, vector<128x128xf32>, vector<1000x128xf32> -> vector<1000x128xf32>
    %get3A_25 = arith.constant 0 : index
    %get3A_26 = arith.constant 0 : index
    %get3A_27 = vector.load %arg7[%get3A_25, %get3A_26] : memref<1x128xf32, #tpu.memory_space<vmem>>, vector<1x128xf32>
    %add3A_28 = vector.broadcast %get3A_27 : vector<1x128xf32> to vector<1000x128xf32>
    %add3A_29 = arith.addf %dot_general3A_24, %add3A_28 : vector<1000x128xf32>
    %reduce_max3A = arith.constant dense<0xFF800000> : vector<1000xf32>
    %reduce_max3A_30 = vector.multi_reduction <maximumf>, %add3A_29, %reduce_max3A [1] : vector<1000x128xf32> to vector<1000xf32>
    %broadcast_in_dim3A = vector.shape_cast %reduce_max3A_30 : vector<1000xf32> to vector<1000x1xf32>
    %sub3A = vector.broadcast %broadcast_in_dim3A : vector<1000x1xf32> to vector<1000x128xf32>
    %sub3A_31 = arith.subf %add3A_29, %sub3A : vector<1000x128xf32>
    %exp3A = math.exp %sub3A_31 : vector<1000x128xf32>
    %sub3A_32 = vector.broadcast %broadcast_in_dim3A : vector<1000x1xf32> to vector<1000x128xf32>
    %sub3A_33 = arith.subf %add3A_29, %sub3A_32 : vector<1000x128xf32>
    %reduce_sum3A = arith.constant dense<0.000000e+00> : vector<1000xf32>
    %reduce_sum3A_34 = vector.multi_reduction <add>, %exp3A, %reduce_sum3A [1] : vector<1000x128xf32> to vector<1000xf32>
    %broadcast_in_dim3A_35 = vector.shape_cast %reduce_sum3A_34 : vector<1000xf32> to vector<1000x1xf32>
    %log3A = math.log %broadcast_in_dim3A_35 : vector<1000x1xf32>
    %sub3A_36 = vector.broadcast %log3A : vector<1000x1xf32> to vector<1000x128xf32>
    %sub3A_37 = arith.subf %sub3A_33, %sub3A_36 : vector<1000x128xf32>
    %swap3A = arith.constant 0 : index
    %swap3A_38 = arith.constant 0 : index
    %swap3A_39 = vector.load %arg8[%swap3A, %swap3A_38] : memref<1000x128xf32, #tpu.memory_space<vmem>>, vector<1000x128xf32>
    tpu.vector_store %arg8[%swap3A, %swap3A_38], %sub3A_37 {strides = array<i32>} : memref<1000x128xf32, #tpu.memory_space<vmem>>, vector<1000x128xf32>,
    return
  }
  func.func @transform_0(%arg0: i32) -> (i32, i32) {
    %c0_i32 = arith.constant 0 : i32
    %c0_i32_0 = arith.constant 0 : i32
    return %arg0, %c0_i32 : i32, i32
  }
  func.func @transform_1(%arg0: i32) -> (i32, i32) {
    %c0_i32 = arith.constant 0 : i32
    %c0_i32_0 = arith.constant 0 : i32
    return %arg0, %c0_i32 : i32, i32
  }
  func.func @transform_2(%arg0: i32) -> (i32, i32) {
    %c0_i32 = arith.constant 0 : i32
    %c0_i32_0 = arith.constant 0 : i32
    return %arg0, %c0_i32 : i32, i32
  }
  func.func @transform_3(%arg0: i32) -> (i32, i32) {
    %c0_i32 = arith.constant 0 : i32
    %c0_i32_0 = arith.constant 0 : i32
    %c0_i32_1 = arith.constant 0 : i32
    return %c0_i32, %c0_i32_0 : i32, i32
  }
  func.func @transform_4(%arg0: i32) -> (i32, i32) {
    %c0_i32 = arith.constant 0 : i32
    %c0_i32_0 = arith.constant 0 : i32
    %c0_i32_1 = arith.constant 0 : i32
    return %c0_i32, %c0_i32_0 : i32, i32
  }
  func.func @transform_5(%arg0: i32) -> (i32, i32) {
    %c0_i32 = arith.constant 0 : i32
    %c0_i32_0 = arith.constant 0 : i32
    %c0_i32_1 = arith.constant 0 : i32
    return %c0_i32, %c0_i32_0 : i32, i32
  }
  func.func @transform_6(%arg0: i32) -> (i32, i32) {
    %c0_i32 = arith.constant 0 : i32
    %c0_i32_0 = arith.constant 0 : i32
    %c0_i32_1 = arith.constant 0 : i32
    return %c0_i32, %c0_i32_0 : i32, i32
  }
  func.func @transform_7(%arg0: i32) -> (i32, i32) {
    %c0_i32 = arith.constant 0 : i32
    %c0_i32_0 = arith.constant 0 : i32
    return %arg0, %c0_i32 : i32, i32
  }
}

</mosaic_0001>

<sc_bundles>
// kernel: kernel.6.cloned.1.call-start
scs
__scs_entry_jumppad:
0x0: {  	(pc) =	sbr.rel $0x88, $3  }
0x1: {  	(tag) =	ssettag $0x0;
	lr =	simm.s32 $0x1  }
0x2: {  	[smem:$0x3F99] =	sst lr;
	_ =	strace $0xD0000000  }
0x3: {  	_ = 	snop  }
0x4: {  	_ = 	snop  }
0x5: {  	_ = 	snop  }
0x6: {  	_ = 	snop  }
0x7: {  	_ = 	snop  }
__scs_overlays_trampoline_lowered:
0x8: {  	[smem:$0x3FA8] =	sst s0  }
0x9: {  	[smem:$0x3FA9] =	sst s1  }
0xa: {  	[smem:$0x3FAA] =	sst s2  }
0xb: {  	[smem:$0x3FAB] =	sst s3  }
0xc: {  	[smem:$0x3FAC] =	sst s4  }
0xd: {  	[smem:$0x3FAD] =	sst s5  }
0xe: {  	[smem:$0x3FAE] =	sst s6  }
0xf: {  	[smem:$0x3FAF] =	sst s7  }
0x10: {  	[smem:$0x3FB0] =	sst s8  }
0x11: {  	[smem:$0x3FB1] =	sst s9;
	s0 =	simm.s32 @!p0 $0x0  }
0x12: {  	s1 =	sld [smem:$0x3F97];
	s0 =	simm.s32 @p0 $0x1  }
0x13: {  	[smem:$0x3FB2] =	sst s0;
	s0 =	simm.s32 @!p1 $0x0  }
0x14: {  	s2 =	sld [smem:$0x3F96];
	s0 =	simm.s32 @p1 $0x1  }
0x15: {  	[smem:$0x3FB3] =	sst s0;
	s0 =	simm.s32 @!p2 $0x0  }
0x16: {  	s3 =	sld [smem:$0x3FDB];
	s0 =	simm.s32 @p2 $0x1  }
0x17: {  	s4 =	simm.s32 $0x1BF5;
	[smem:$0x3FB5] =	sst s0  }
0x18: {  	s0 =	sld [smem:$0x3F98];
	_ =	swait.ge [sflag:s4], $0x0  }
0x19: {  	s7 =	sld [smem:$0x3F99]  }
0x1a: {  	s8 =	sadd.s32 $0xFFFFE003, lr  }
0x1b: {  	s9 =	sadd.s32 $0xFFFFFEF7, lr;
	s5 =	simm.s32 $0xFFFFFFFF;
	p2 =	slt.u32 s8, $0xFFFFF086  }
0x1c: {  	p1 =	slt.u32 s9, $0xF7A;
	s5 =	simm.s32 @!p2 $0x0  }
0x1d: {  	s5 =	simm.s32 @p1 $0x1;
	p0 =	seq.s32 s7, s2  }
0x1e: {  	s7 =	smul.u32 @!p0 $0xF7A, s2;
	p2 =	seq.s32 @!p0 s5, $0x0  }
0x1f: {  	s9 =	smul.u32 $0xF7A, s1;
	s8 =	simm.s32 @!p0 $0x1BF5;
	p2 =	por !p2, p0  }
0x20: {  	[sflag:s8] =	ssyncset.s32 @!p0 $0xFFFFF086;
	s6 =	sadd.s32 @!p0 s3, s7;
	s7 =	simm.s32 @!p0 $0x108  }
0x21: {  	s3 =	sadd.s32 s3, s9;
	s6 =	sadd.s32 @!p0 $0x88, s6;
	s7 =	simm.s32 @p2 $0x1082  }
0x22: {  	[simem:s7], [sflag:s8] =	dma.local @!p0 [hbm:s6], $0xF7A  }
0x23: {  	s9 =	sor.u32 $0xD0000000, s2;
	s6 =	simm.s32 $0x108;
	_ =	swait.ge @!p0 [sflag:s8], $0x0  }
0x24: {  	s3 =	sadd.s32 $0x88, s3;
	s6 =	simm.s32 @!p1 $0x1082;
	[sflag:s4] =	ssyncset.s32 $0xFFFFF086  }
0x25: {  	[simem:s6], [sflag:s4] =	dma.local [hbm:s3], $0xF7A  }
0x26: {  	[smem:$0x3F99] =	sst s1;
	(tag) =	ssettag s2;
	_ =	strace s9  }
0x27: {  	s1 =	sld [smem:$0x3FA9]  }
0x28: {  	s2 =	sld [smem:$0x3FAA]  }
0x29: {  	s4 =	sld [smem:$0x3FAC]  }
0x2a: {  	p0 =	seq.s32 s5, $0x0;
	s5 =	sld [smem:$0x3FAD]  }
0x2b: {  	s6 =	sld [smem:$0x3FAE]  }
0x2c: {  	s7 =	sld [smem:$0x3FAF]  }
0x2d: {  	s3 =	simm.s32 $0x108;
	s8 =	sld [smem:$0x3FB0]  }
0x2e: {  	s3 =	simm.s32 @!p0 $0x1082;
	s9 =	sld [smem:$0x3FB1]  }
0x2f: {  	lr =	sadd.s32 s0, s3;
	s0 =	sld [smem:$0x3FA8]  }
0x30: {  	s3 =	sld [smem:$0x3FAB]  }
0x31: {  	[smem:$0x3FB4] =	sst s10  }
0x32: {  	s10 =	sld [smem:$0x3FB2];
	_ =	sdelay $0x3  }
0x33: {  	p0 =	seq.s32 s10, $0x1;
	s10 =	sld [smem:$0x3FB4];
	_ =	sdelay $0x3  }
0x34: {  	[smem:$0x3FB4] =	sst s10  }
0x35: {  	s10 =	sld [smem:$0x3FB3];
	_ =	sdelay $0x3  }
0x36: {  	p1 =	seq.s32 s10, $0x1;
	s10 =	sld [smem:$0x3FB4];
	_ =	sdelay $0x3  }
0x37: {  	[smem:$0x3FB4] =	sst s10  }
0x38: {  	s10 =	sld [smem:$0x3FB5]  }
0x39: {  	_ = 	snop;
	(pc) =	sbr.ind lr, $3  }
0x3a: {  	_ = 	snop  }
0x3b: {  	_ = 	snop  }
0x3c: {  	p2 =	seq.s32 s10, $0x1;
	s10 =	sld [smem:$0x3FB4]  }
0x3d: {  	_ =	shalt  }
0x3e: {  	_ =	shalt  }
0x3f: {  	_ =	shalt  }
0x40: {  	_ =	shalt  }
0x41: {  	_ =	shalt  }
0x42: {  	_ =	shalt  }
0x43: {  	_ =	shalt  }
0x44: {  	_ =	shalt  }
0x45: {  	_ =	shalt  }
0x46: {  	_ =	shalt  }
0x47: {  	_ =	shalt  }
0x48: {  	_ =	shalt  }
0x49: {  	_ =	shalt  }
0x4a: {  	_ =	shalt  }
0x4b: {  	_ =	shalt  }
0x4c: {  	_ =	shalt  }
0x4d: {  	_ =	shalt  }
0x4e: {  	_ =	shalt  }
0x4f: {  	_ =	shalt  }
0x50: {  	_ =	shalt  }
0x51: {  	_ =	shalt  }
0x52: {  	_ =	shalt  }
0x53: {  	_ =	shalt  }
0x54: {  	_ =	shalt  }
0x55: {  	_ =	shalt  }
0x56: {  	_ =	shalt  }
0x57: {  	_ =	shalt  }
0x58: {  	_ =	shalt  }
0x59: {  	_ =	shalt  }
0x5a: {  	_ =	shalt  }
0x5b: {  	_ =	shalt  }
0x5c: {  	_ =	shalt  }
0x5d: {  	_ =	shalt  }
0x5e: {  	_ =	shalt  }
0x5f: {  	_ =	shalt  }
0x60: {  	_ =	shalt  }
0x61: {  	_ =	shalt  }
0x62: {  	_ =	shalt  }
0x63: {  	_ =	shalt  }
0x64: {  	_ =	shalt  }
0x65: {  	_ =	shalt  }
0x66: {  	_ =	shalt  }
0x67: {  	_ =	shalt  }
0x68: {  	_ =	shalt  }
0x69: {  	_ =	shalt  }
0x6a: {  	_ =	shalt  }
0x6b: {  	_ =	shalt  }
0x6c: {  	_ =	shalt  }
0x6d: {  	_ =	shalt  }
0x6e: {  	_ =	shalt  }
0x6f: {  	_ =	shalt  }
0x70: {  	_ =	shalt  }
0x71: {  	_ =	shalt  }
0x72: {  	_ =	shalt  }
0x73: {  	_ =	shalt  }
0x74: {  	_ =	shalt  }
0x75: {  	_ =	shalt  }
0x76: {  	_ =	shalt  }
0x77: {  	_ =	shalt  }
0x78: {  	_ =	shalt  }
0x79: {  	_ =	shalt  }
0x7a: {  	_ =	shalt  }
0x7b: {  	_ =	shalt  }
0x7c: {  	_ =	shalt  }
0x7d: {  	_ =	shalt  }
0x7e: {  	_ =	shalt  }
0x7f: {  	_ =	shalt  }
0x80: {  	_ =	shalt  }
0x81: {  	_ =	shalt  }
0x82: {  	_ =	shalt  }
0x83: {  	_ =	shalt  }
0x84: {  	_ =	shalt  }
0x85: {  	_ =	shalt  }
0x86: {  	_ =	shalt  }
0x87: {  	_ =	shalt  }
.Lfunc_end0:
.L_simem_size_0:
called_computation_lowered:
.L_overlay_start_0:
0x88: {  	s2 =	sld [smem:$0x3FD9]  }
0x89: {  	s3 =	sld [smem:$0x3FFE];
	_ =	sdelay $0x1  }
0x8a: {  	s1 =	srdreg.scid  }
0x8b: {  	s0 =	sand.u32 $0x1, s1  }
0x8c: {  	s17 =	sshll.u32 s0, $0xA;
	s2 =	sadd.s32 s3, s2  }
0x8d: {  	s2 =	sadd.s32 s2, s17  }
0x8e: {  	[smem:$0x3FC0] =	sst s2  }
0x8f: {  	_ = 	snop  }
0x90: {  	s2 =	sld [smem:$0x3FC9];
	(tm) =	ssettm $0x1  }
0x91: {  	s18 =	sld [smem:$0x3FFB];
	_ =	sdelay $0x3  }
0x92: {  	_ =	strace s18  }
0x93: {  	s3 =	sld [smem:$0x3FFC];
	_ =	sdelay $0x3  }
0x94: {  	_ =	strace s3  }
0x95: {  	s3 =	sld [smem:$0x3FFD];
	_ =	sdelay $0x3  }
0x96: {  	_ =	strace s3  }
0x97: {  	_ =	strace $0x8FFFFFFF  }
0x98: {  	s19 =	sld [smem:$0x3FDB];
	_ =	sdelay $0x1  }
0x99: {  	s4 =	simm.s32 $_scs_section_size  }
0x9a: {  	s5 =	simm.s32 $_size__tile_overlayer_lowered;
	s6 =	simm.s32 $_tile_overlayer_lowered  }
0x9b: {  	s22 =	simm.s32 $0x1BFF;
	s21 =	sshll.u32 s6, $0x1;
	s3 =	sadd.s32 s4, s19  }
0x9c: {  	s7 =	simm.s32 $0x0;
	s20 =	sshll.u32 s5, $0x1;
	s5 =	sadd.s32 s21, s3  }
0x9d: {  	[timem:s7], [sflag:s22] =	dma.local [hbm:s5], s20  }
0x9e: {  	_ =	swait.ge [sflag:s22], s20  }
0x9f: {  	s4 =	ssub.s32 $0x0, s20;
	[sflag:s22] =	ssyncset.done $0x0  }
0xa0: {  	[sflag:s22] =	ssyncadd.s32 s4;
	_ =	sdelay $0x1  }
0xa1: {  	s23 =	simm.s32 $0x1B8B  }
0xa2: {  	_ =	swait.ge [sflag:s23], $0x1  }
0xa3: {  	[sflag:s23] =	ssyncset.done $0x0  }
0xa4: {  	s25 =	simm.s32 $0x1B8E;
	s24 =	sld [smem:$0x3FFE];
	[sflag:s23] =	ssyncadd.s32 $0xFFFFFFFF  }
0xa5: {  	s26 =	simm.s32 $execute0_lowered;
	[smem:$0x3FD2] =	sst s25  }
0xa6: {  	s5 =	sshll.u32 s26, $0x1;
	_ =	strace $0x80000046;
	[dreg:$0x1] =	wrdreg $0xFFFFFFFF  }
0xa7: {  	s28 =	simm.s32 $_size_execute0_lowered;
	s3 =	sadd.s32 s3, s5;
	[dreg:$0x0] =	wrdreg $0x0  }
0xa8: {  	s5 =	sshll.u32 s28, $0x1;
	[dreg:$0x2] =	wrdreg s3  }
0xa9: {  	[dreg:$0x3] =	wrdreg s5  }
0xaa: {  	[dreg:$0x4] =	wrdreg $0xC0  }
0xab: {  	_ =	task [dreg:s7], $0x5FFFF  }
0xac: {  	[dreg:$0x1] =	wrdreg $0xFFFFFFFF  }
0xad: {  	[dreg:$0x0] =	wrdreg $0x60  }
0xae: {  	[dreg:$0x2] =	wrdreg s2  }
0xaf: {  	[dreg:$0x3] =	wrdreg s24  }
0xb0: {  	[dreg:$0x4] =	wrdreg $0xA4000  }
0xb1: {  	[dreg:$0x5] =	wrdreg $0x9  }
0xb2: {  	_ =	task.clear_ibuf [dreg:s7], $0x6FFFF;
	_ =	strace $0x90000046  }
0xb3: {  	s29 =	simm.s32 $0x9;
	_ =	strace $0x80000048  }
0xb4: {  	_ =	swait.ge [sflag:s29], $0x1  }
0xb5: {  	[sflag:s29] =	ssyncadd.s32 $0xFFFFFFFF  }
0xb6: {  	_ =	strace $0x90000048  }
0xb7: {  	_ =	sfence  }
0xb8: {  	s30 =	sld [smem:$0x0];
	_ =	sdelay $0x2  }
0xb9: {  	s31 =	sshll.u32 s1, $0xD;
	s1 =	sshrl.u32 s1, $0x2  }
0xba: {  	s3 =	sand.u32 $0x4000, s31;
	s1 =	sadd.s32 s1, s30  }
0xbb: {  	s0 =	sor.u32 s3, s0;
	s1 =	sshll.u32 s1, $0x11  }
0xbc: {  	s0 =	sor.u32 s1, s0  }
0xbd: {  	s0 =	sadd.s32 $0x8F2B, s0  }
0xbe: {  	[sflag:s0] =	ssyncadd.remote.s32 $0x1  }
0xbf: {  	_ =	sfence.sel $0xFFFF  }
0xc0: {  	[dreg:$0x0] =	wrdreg $0xFFFFFFFF;
	(pc) =	sbr.abs _section_cstart, $3  }
0xc1: {  	[dreg:$0x1] =	wrdreg $0xFFFFFFFF  }
0xc2: {  	_ =	task.clear_ibuf [dreg:s7], $0x2FFFF;
	_ =	strace $0x9FFFFFFF  }
0xc3: {  	(tm) =	ssettm $0x7FFFFFFF  }
tec
execute0_lowered:
.L_overlay_start_1:
0x0: {  	(tag) =	ssettag $0x1  }
0x1: {  	s1 =	rddreg [dreg:$0x0]  }
0x2: {  	s0 =	rddreg [dreg:$0x1]  }
0x3: {  	s2 =	rddreg [dreg:$0x2];
	s3 =	srdreg.scid  }
0x4: {  	s4 =	simm.s32 $0x0;
	s11 =	stileid.u32;
	s30 =	simm.s32 $0x1  }
0x5: {  	s31 =	simm.s32 $0x180;
	s28 =	simm.s32 $0x5;
	s3 =	sand.u32 $0x1, s3  }
0x6: {  	[smem:$0x7FF] =	sst s4;
	s8 =	smul.u32 $0x13C00, s11;
	s5 =	sadd.s32 $0xC400, s0  }
0x7: {  	s6 =	sadd.s32 $0x2600, s0;
	s13 =	sadd.s32 $0x16200, s0;
	s10 =	smul.u32 $0x4E200, s11  }
0x8: {  	s14 =	sshll.u32 s11, $0x1;
	s17 =	smul.u32 $0x4E20, s11;
	s11 =	sshll.u32 s11, $0x6  }
0x9: {  	s7 =	smul.u32 $0x13C000, s3;
	_ =	strace $0x80000047;
	s9 =	ssub.s32 $0x2, s3  }
0xa: {  	[dreg:$0x4] =	wrdreg s13;
	s15 =	sshrl.u32 s9, $0x1;
	s16 =	sshrl.u32 s10, $0x2  }
0xb: {  	s7 =	sadd.s32 s8, s7;
	s8 =	sor.u32 s3, s14;
	s3 =	smul.u32 $0x2710, s3  }
0xc: {  	s13 =	sadd.s32 s16, s2;
	s7 =	sshrl.u32 s7, $0x3;
	s8 =	smul.u32 $0x2710, s8  }
0xd: {  	s10 =	sshrl.u32 s13, $0x3;
	s0 =	sadd.s32 s7, s0;
	s7 =	ssub.s32 s9, s15  }
0xe: {  	s9 =	sor.u32 $0x1C09, s11;
	s3 =	sadd.s32 s3, s17;
	s11 =	simm.s32 $0x0  }
0xf: {  	[dreg:$0xd] =	wrdreg s10;
	s12 =	sshrl.u32 s8, $0x3;
	s23 =	sadd.s32 $0x190, s3  }
0x10: {  	s0 =	sadd.s32 $0x18A00, s0;
	s25 =	sadd.s32 $0xA0, s3;
	s7 =	smax.u32 s7, $0x1  }
0x11: {  	s29 =	sadd.s32 $0x140, s3;
	s3 =	simm.s32 $0x7C00;
	[dreg:$0x5] =	wrdreg s9  }
0x12: {  	s18 =	sadd.s32 s5, s12;
	s19 =	sadd.s32 s6, s12;
	[dreg:$0xa] =	wrdreg s0  }
0x13: {  	s20 =	sadd.s32 $0xA, s12;
	s24 =	sshrl.u32 s23, $0x3;
	[dreg:$0xb] =	wrdreg s7  }
0x14: {  	s26 =	sshrl.u32 s25, $0x3;
	[dreg:$0xc] =	wrdreg s29;
	s23 =	simm.s32 $0x200  }
.Ltmp0:
0x15: {  	s25 =	simm.s32 $0x400;
	[dreg:$0x6] =	wrdreg s18;
	(pc) =	sbr.rel .LBB2_1-.Ltmp0, $4  }
0x16: {  	s0 =	simm.s32 $0x380;
	[dreg:$0x7] =	wrdreg s19;
	s21 =	sadd.s32 s5, s20  }
0x17: {  	s22 =	sadd.s32 s6, s20;
	s16 =	sadd.s32 s24, s6;
	s17 =	sadd.s32 s24, s5  }
0x18: {  	s19 =	sadd.s32 s26, s6;
	s20 =	sadd.s32 s26, s5;
	[dreg:$0x8] =	wrdreg s21  }
0x19: {  	s24 =	simm.s32 $0x50;
	[dreg:$0x9] =	wrdreg s22;
	s22 =	simm.s32 $0x9  }
.LBB2_5:
0x1a: {  	[bflag:$0x0] =	sbarrier.arrive $0xFFFF  }
0x1b: {  	s9 =	rddreg [dreg:$0x5]  }
0x1c: {  	s7 =	rddreg [dreg:$0xa]  }
0x1d: {  	s10 =	rddreg [dreg:$0xd]  }
0x1e: {  	[hbm:s7], [sflag:s9] =	dma.local [spmem:s10], $0x2710  }
0x1f: {  	_ =	swait.ge [sflag:s22], $0x2710  }
0x20: {  	s11 =	rddreg [dreg:$0xe]  }
0x21: {  	s29 =	rddreg [dreg:$0xb];
	s11 =	sadd.s32 $0x1, s11  }
0x22: {  	p0 =	sne.s32 s11, s29  }
.Ltmp1:
0x23: {  	_ = 	snop;
	(pc) =	sbr.rel @!p0 .LBB2_6-.Ltmp1, $3  }
0x24: {  	_ =	sdelay $0x1  }
0x25: {  	[sflag:s22] =	ssyncset.done $0x0  }
0x26: {  	[sflag:s22] =	ssyncadd.s32 $0xFFFFD8F0  }
.LBB2_1:
0x27: {  	[dreg:$0xe] =	wrdreg s11  }
0x28: {  	s7 =	rddreg [dreg:$0x4]  }
0x29: {  	[spmem:s10], [sflag:s9] =	dma.local [hbm:s7], $0x2710  }
0x2a: {  	_ =	swait.ge [sflag:s22], $0x2710  }
0x2b: {  	[sflag:s22] =	ssyncset.done $0x0  }
0x2c: {  	[sflag:s22] =	ssyncadd.s32 $0xFFFFD8F0  }
0x2d: {  	[bflag:$0x0] =	sbarrier.arrive $0xFFFF  }
0x2e: {  	s13 =	rddreg [dreg:$0x6]  }
0x2f: {  	[tilespmem:s4], [sflag:$0x9] =	stream.linear.gather [hbm4b:s13+s4], $0x50, $0x38;
	[tilespmem:$0x1DC80] =	vst v63  }
0x30: {  	_ =	swait.ge [sflag:s22], $0x50  }
0x31: {  	[sflag:s22] =	ssyncset.done $0x0  }
0x32: {  	s14 =	rddreg [dreg:$0x7];
	[sflag:s22] =	ssyncadd.s32 $0xFFFFFFB0  }
0x33: {  	[tilespmem:s23], [sflag:$0x9] =	stream.linear.gather [hbm4b:s14+s4], $0x50, $0x38;
	[tilespmem:$0x1DC80] =	vst v63  }
0x34: {  	_ =	swait.ge [sflag:s22], $0x50  }
0x35: {  	[sflag:s22] =	ssyncset.done $0x0  }
0x36: {  	[sflag:s22] =	ssyncadd.s32 $0xFFFFFFB0  }
0x37: {  	[tilespmem:s25], [sflag:$0x1] =	stream.indirect.gather [hbm4b:s1+s24], $0x80, s4, s24, $0xb8;
	[tilespmem:$0x1DC80] =	vst v63  }
0x38: {  	s18 =	simm.s32 $0x80;
	s15 =	rddreg [dreg:$0x8]  }
0x39: {  	[tilespmem:s18], [sflag:$0x9] =	stream.linear.gather [hbm4b:s15+s4], $0x50, $0x38;
	[tilespmem:$0x1DC80] =	vst v63  }
0x3a: {  	_ =	swait.ge [sflag:s22], $0x50  }
0x3b: {  	[sflag:s22] =	ssyncset.done $0x0  }
0x3c: {  	s26 =	simm.s32 $0x280;
	s21 =	rddreg [dreg:$0x9];
	[sflag:s22] =	ssyncadd.s32 $0xFFFFFFB0  }
0x3d: {  	[tilespmem:s26], [sflag:$0x9] =	stream.linear.gather [hbm4b:s21+s4], $0x50, $0x38;
	[tilespmem:$0x1DC80] =	vst v63  }
.Ltmp2:
0x3e: {  	_ =	swait.ge [sflag:s22], $0x50;
	(pc) =	sbr.rel .LBB2_2-.Ltmp2, $4  }
0x3f: {  	[sflag:s22] =	ssyncset.done $0x0  }
0x40: {  	s29 =	simm.s32 $0x2C00;
	s11 =	simm.s32 $0x0;
	[sflag:s22] =	ssyncadd.s32 $0xFFFFFFB0  }
0x41: {  	[tilespmem:s29], [sflag:$0x2] =	stream.indirect.gather [hbm4b:s1+s24], $0x80, s18, s24, $0xb8;
	[tilespmem:$0x1DC80] =	vst v63  }
0x42: {  	s12 =	simm.s32 $0x0;
	s7 =	simm.s32 $0x3;
	s18 =	rddreg [dreg:$0xc]  }
.LBB2_4:
0x43: {  	p2 =	sgt.u32 s12, $0x1E  }
0x44: {  	s9 =	simm.s32 @!p2 $0x2  }
0x45: {  	_ =	swait.ge @!p2 [sflag:s9], $0x2800  }
0x46: {  	s26 =	simm.s32 @!p2 $0x280;
	[sflag:s9] =	ssyncset.done @!p2 $0x0  }
0x47: {  	s21 =	simm.s32 @!p2 $0x2C00;
	[sflag:s9] =	ssyncadd.s32 @!p2 $0xFFFFD800;
	s9 =	simm.s32 @!p2 $0x50  }
0x48: {  	[spmem:s2] =	stream.indirect.scatter.add.f32 @!p2 [tilespmem:s21], [sflag:$0x6], $0x80, s26, s9, $0xb8;
	[tilespmem:$0x1DC80] =	vst v63  }
0x49: {  	p2 =	seq.s32 s11, $0x4D8;
	_ =	swait.ge [sflag:s28], $0x2800  }
0x4a: {  	s9 =	sshrl.u32 @!p2 s18, $0x3;
	[sflag:s28] =	ssyncset.done $0x0  }
0x4b: {  	s26 =	simm.s32 @!p2 $0x0;
	s21 =	sadd.s32 @!p2 s5, s9;
	[sflag:s28] =	ssyncadd.s32 $0xFFFFD800  }
0x4c: {  	[tilespmem:s26], [sflag:$0x9] =	stream.linear.gather @!p2 [hbm4b:s21+s26], $0x50, $0x38;
	[tilespmem:$0x1DC80] =	vst v63  }
0x4d: {  	s21 =	simm.s32 @!p2 $0x9  }
0x4e: {  	_ =	swait.ge @!p2 [sflag:s21], $0x50  }
0x4f: {  	[sflag:s21] =	ssyncset.done @!p2 $0x0  }
0x50: {  	s29 =	simm.s32 @!p2 $0x200;
	s9 =	sadd.s32 @!p2 s6, s9;
	[sflag:s21] =	ssyncadd.s32 @!p2 $0xFFFFFFB0  }
0x51: {  	[tilespmem:s29], [sflag:$0x9] =	stream.linear.gather @!p2 [hbm4b:s9+s26], $0x50, $0x38;
	[tilespmem:$0x1DC80] =	vst v63  }
0x52: {  	_ =	swait.ge @!p2 [sflag:s21], $0x50  }
0x53: {  	[sflag:s21] =	ssyncset.done @!p2 $0x0  }
0x54: {  	s9 =	simm.s32 @!p2 $0x50;
	[sflag:s21] =	ssyncadd.s32 @!p2 $0xFFFFFFB0;
	s21 =	simm.s32 @!p2 $0x400  }
0x55: {  	[tilespmem:s21], [sflag:$0x1] =	stream.indirect.gather @!p2 [hbm4b:s1+s9], $0x80, s26, s9, $0xb8;
	[tilespmem:$0x1DC80] =	vst v63  }
0x56: {  	s9 =	simm.s32 @!p0 $0x3  }
0x57: {  	_ =	swait.ge @!p0 [sflag:s9], $0x2800  }
0x58: {  	[sflag:s9] =	ssyncset.done @!p0 $0x0  }
0x59: {  	[sflag:s9] =	ssyncadd.s32 @!p0 $0xFFFFD800  }
0x5a: {  	[spmem:s2] =	stream.indirect.scatter.add.f32 @!p0 [tilespmem:s15], [sflag:$0x7], $0x80, s13, s14, $0xb8;
	[tilespmem:$0x1DC80] =	vst v63  }
0x5b: {  	p0 =	sgt.u32 s10, $0x7E  }
0x5c: {  	s9 =	simm.s32 @!p0 $0x6  }
0x5d: {  	_ =	swait.ge @!p0 [sflag:s9], $0x2800  }
0x5e: {  	[sflag:s9] =	ssyncset.done @!p0 $0x0  }
0x5f: {  	[sflag:s9] =	ssyncadd.s32 @!p0 $0xFFFFD800;
	p0 =	sgt.u32 s12, $0x1D  }
0x60: {  	s9 =	sadd.s32 @!p0 s11, s17;
	s10 =	simm.s32 @!p0 $0x0;
	s13 =	simm.s32 @!p0 $0x80  }
0x61: {  	[tilespmem:s13], [sflag:$0x9] =	stream.linear.gather @!p0 [hbm4b:s9+s10], $0x50, $0x38;
	[tilespmem:$0x1DC80] =	vst v63  }
0x62: {  	s9 =	simm.s32 @!p0 $0x9  }
0x63: {  	_ =	swait.ge @!p0 [sflag:s9], $0x50  }
0x64: {  	[sflag:s9] =	ssyncset.done @!p0 $0x0  }
0x65: {  	s14 =	sadd.s32 @!p0 s11, s16;
	s15 =	simm.s32 @!p0 $0x280;
	[sflag:s9] =	ssyncadd.s32 @!p0 $0xFFFFFFB0  }
0x66: {  	[tilespmem:s15], [sflag:$0x9] =	stream.linear.gather @!p0 [hbm4b:s14+s10], $0x50, $0x38;
	[tilespmem:$0x1DC80] =	vst v63  }
0x67: {  	_ =	swait.ge @!p0 [sflag:s9], $0x50  }
0x68: {  	s11 =	sadd.s32 $0x28, s11;
	[sflag:s9] =	ssyncset.done @!p0 $0x0  }
0x69: {  	s10 =	simm.s32 @!p0 $0x2C00;
	[sflag:s9] =	ssyncadd.s32 @!p0 $0xFFFFFFB0;
	s9 =	simm.s32 @!p0 $0x50  }
0x6a: {  	[tilespmem:s10], [sflag:$0x2] =	stream.indirect.gather @!p0 [hbm4b:s1+s9], $0x80, s13, s9, $0xb8;
	[tilespmem:$0x1DC80] =	vst v63  }
0x6b: {  	p0 =	sne.s32 s11, $0x500  }
.Ltmp3:
0x6c: {  	s9 =	simm.s32 @p1 $0x4;
	(pc) =	sbr.rel @!p0 .LBB2_5-.Ltmp3, $4  }
0x6d: {  	s7 =	sadd.s32 $0x4, s7;
	s18 =	sadd.s32 $0x140, s18;
	_ =	swait.ge @p1 [sflag:s9], $0x2800  }
0x6e: {  	s12 =	sadd.s32 $0x1, s12;
	s10 =	simm.s32 @p1 $0x380;
	[sflag:s9] =	ssyncset.done @p1 $0x0  }
0x6f: {  	s13 =	simm.s32 @p1 $0x7C00;
	[sflag:s9] =	ssyncadd.s32 @p1 $0xFFFFD800;
	s9 =	simm.s32 @p1 $0x50  }
0x70: {  	[spmem:s2] =	stream.indirect.scatter.add.f32 @p1 [tilespmem:s13], [sflag:$0x8], $0x80, s10, s9, $0xb8;
	[tilespmem:$0x1DC80] =	vst v63  }
.LBB2_2:
0x71: {  	s10 =	sadd.s32 $0xFFFFFFFB, s7  }
0x72: {  	p0 =	sgt.u32 s10, $0x7C  }
0x73: {  	s10 =	simm.s32 @!p0 $0x7  }
0x74: {  	_ =	swait.ge @!p0 [sflag:s10], $0x2800  }
0x75: {  	s13 =	sadd.s32 $0xFFFFFFFF, s7;
	[sflag:s10] =	ssyncset.done @!p0 $0x0  }
0x76: {  	[sflag:s10] =	ssyncadd.s32 @!p0 $0xFFFFD800;
	p0 =	sgt.u32 s13, $0x7C  }
0x77: {  	s10 =	sadd.s32 @!p0 s11, s20;
	s14 =	simm.s32 @!p0 $0x0;
	s26 =	simm.s32 @!p0 $0x100  }
0x78: {  	[tilespmem:s26], [sflag:$0x9] =	stream.linear.gather @!p0 [hbm4b:s10+s14], $0x50, $0x38;
	[tilespmem:$0x1DC80] =	vst v63  }
0x79: {  	s10 =	simm.s32 @!p0 $0x9  }
0x7a: {  	_ =	swait.ge @!p0 [sflag:s10], $0x50  }
0x7b: {  	[sflag:s10] =	ssyncset.done @!p0 $0x0  }
0x7c: {  	s15 =	sadd.s32 @!p0 s11, s19;
	s13 =	simm.s32 @!p0 $0x300;
	[sflag:s10] =	ssyncadd.s32 @!p0 $0xFFFFFFB0  }
0x7d: {  	[tilespmem:s13], [sflag:$0x9] =	stream.linear.gather @!p0 [hbm4b:s15+s14], $0x50, $0x38;
	[tilespmem:$0x1DC80] =	vst v63  }
0x7e: {  	_ =	swait.ge @!p0 [sflag:s10], $0x50  }
0x7f: {  	p2 =	seq.s32 s11, $0x0;
	[sflag:s10] =	ssyncset.done @!p0 $0x0  }
0x80: {  	s14 =	simm.s32 @!p0 $0x50;
	s15 =	simm.s32 @!p0 $0x5400;
	[sflag:s10] =	ssyncadd.s32 @!p0 $0xFFFFFFB0  }
0x81: {  	[tilespmem:s15], [sflag:$0x3] =	stream.indirect.gather @!p0 [hbm4b:s1+s14], $0x80, s26, s14, $0xb8;
	[tilespmem:$0x1DC80] =	vst v63  }
0x82: {  	p1 =	sgt.u32 @!p2 s7, $0x7C;
	_ =	swait.ge [sflag:s30], $0x2800  }
0x83: {  	p3 =	por p2, !p1;
	[sflag:s30] =	ssyncset.done $0x0  }
.Ltmp4:
0x84: {  	s10 =	simm.s32 @!p2 $0x8;
	[sflag:s30] =	ssyncadd.s32 $0xFFFFD800;
	(pc) =	sbr.rel @!p3 .LBB2_4-.Ltmp4, $4  }
0x85: {  	[spmem:s2] =	stream.indirect.scatter.add.f32 [tilespmem:s25], [sflag:$0x5], $0x80, s23, s24, $0xb8;
	[tilespmem:$0x1DC80] =	vst v63  }
0x86: {  	_ =	swait.ge @!p2 [sflag:s10], $0x2800  }
0x87: {  	[sflag:s10] =	ssyncset.done @!p2 $0x0  }
0x88: {  	p1 =	por @!p2 $0x0, $0x0;
	[sflag:s10] =	ssyncadd.s32 @!p2 $0xFFFFD800;
	s10 =	smov.u32 s7  }
0x89: {  	s10 =	smov.u32 s7  }
0x8a: {  	s10 =	simm.s32 @p2 $0x3  }
0x8b: {  	s26 =	smul.u32 $0x50, s10;
	_ =	sdelay $0x1  }
0x8c: {  	s26 =	sadd.s32 s8, s26  }
0x8d: {  	s26 =	sshrl.u32 s26, $0x3  }
0x8e: {  	s9 =	sadd.s32 s5, s26  }
0x8f: {  	[tilespmem:s31], [sflag:$0x9] =	stream.linear.gather [hbm4b:s9+s4], $0x50, $0x38;
	[tilespmem:$0x1DC80] =	vst v63  }
0x90: {  	_ =	swait.ge [sflag:s22], $0x50  }
0x91: {  	[sflag:s22] =	ssyncset.done $0x0  }
0x92: {  	s29 =	sadd.s32 s6, s26;
	[sflag:s22] =	ssyncadd.s32 $0xFFFFFFB0  }
0x93: {  	[tilespmem:s0], [sflag:$0x9] =	stream.linear.gather [hbm4b:s29+s4], $0x50, $0x38;
	[tilespmem:$0x1DC80] =	vst v63  }
.Ltmp5:
0x94: {  	_ = 	snop;
	(pc) =	sbr.rel .LBB2_4-.Ltmp5, $4  }
0x95: {  	_ =	swait.ge [sflag:s22], $0x50  }
0x96: {  	[sflag:s22] =	ssyncset.done $0x0  }
0x97: {  	p1 =	por $0x1, $0x1;
	[sflag:s22] =	ssyncadd.s32 $0xFFFFFFB0  }
0x98: {  	[tilespmem:s3], [sflag:$0x4] =	stream.indirect.gather [hbm4b:s1+s24], $0x80, s31, s24, $0xb8;
	[tilespmem:$0x1DC80] =	vst v63  }
.LBB2_6:
0x99: {  	_ =	sfence.sel $0x180000  }
0x9a: {  	[bflag:$0x0] =	sbarrier.arrive $0xFFFF  }
0x9b: {  	_ =	strace $0x90000047  }
0x9c: {  	s0 =	stileid.u32;
	[bflag:$0x2] =	sbarrier.arrive $0xFFFF  }
0x9d: {  	p0 =	sne.s32 s0, $0x0;
	s0 =	rddreg [dreg:$0x3]  }
0x9e: {  	s0 =	sadd.s32 @!p0 $0x100000, s0  }
0x9f: {  	[sflag:s0] =	ssyncadd.tile.s32 @!p0 $0x1;
	_ =	shalt  }
.Lfunc_end2:
_tile_overlayer_lowered:
.L_overlay_start_2:
0xa0: {  	(tag) =	ssettag $0x2  }
0xa1: {  	s0 =	rddreg [dreg:$0x0];
	s2 =	stileid.u32  }
0xa2: {  	s1 =	rddreg [dreg:$0x1];
	p0 =	sne.s32 s2, $0x0  }
0xa3: {  	s3 =	rddreg [dreg:$0x2];
	[bflag:$0x3] =	sbarrier.arrive $0xFFFF;
	s2 =	simm.s32 @!p0 $0x1C09  }
0xa4: {  	[timem:s3], [sflag:s2] =	dma.local @!p0 [hbm:s0], s1  }
0xa5: {  	s0 =	simm.s32 @!p0 $0x9  }
0xa6: {  	_ =	swait.ge @!p0 [sflag:s0], s1  }
0xa7: {  	s1 =	ssub.s32 @!p0 $0x0, s1;
	[sflag:s0] =	ssyncset.done @!p0 $0x0  }
0xa8: {  	[sflag:s0] =	ssyncadd.s32 @!p0 s1  }
0xa9: {  	[bflag:$0x3] =	sbarrier.arrive $0xFFFF  }
0xaa: {  	_ =	shalt  }

// kernel: kernel.9.cloned.1.call-start
scs
__scs_entry_jumppad:
0x0: {  	(pc) =	sbr.rel $0x88, $3  }
0x1: {  	(tag) =	ssettag $0x0;
	lr =	simm.s32 $0x1  }
0x2: {  	[smem:$0x3F99] =	sst lr;
	_ =	strace $0xD0000000  }
0x3: {  	_ = 	snop  }
0x4: {  	_ = 	snop  }
0x5: {  	_ = 	snop  }
0x6: {  	_ = 	snop  }
0x7: {  	_ = 	snop  }
__scs_overlays_trampoline_lowered:
0x8: {  	[smem:$0x3FA8] =	sst s0  }
0x9: {  	[smem:$0x3FA9] =	sst s1  }
0xa: {  	[smem:$0x3FAA] =	sst s2  }
0xb: {  	[smem:$0x3FAB] =	sst s3  }
0xc: {  	[smem:$0x3FAC] =	sst s4  }
0xd: {  	[smem:$0x3FAD] =	sst s5  }
0xe: {  	[smem:$0x3FAE] =	sst s6  }
0xf: {  	[smem:$0x3FAF] =	sst s7  }
0x10: {  	[smem:$0x3FB0] =	sst s8  }
0x11: {  	[smem:$0x3FB1] =	sst s9;
	s0 =	simm.s32 @!p0 $0x0  }
0x12: {  	s1 =	sld [smem:$0x3F97];
	s0 =	simm.s32 @p0 $0x1  }
0x13: {  	[smem:$0x3FB2] =	sst s0;
	s0 =	simm.s32 @!p1 $0x0  }
0x14: {  	s2 =	sld [smem:$0x3F96];
	s0 =	simm.s32 @p1 $0x1  }
0x15: {  	[smem:$0x3FB3] =	sst s0;
	s0 =	simm.s32 @!p2 $0x0  }
0x16: {  	s3 =	sld [smem:$0x3FDB];
	s0 =	simm.s32 @p2 $0x1  }
0x17: {  	s4 =	simm.s32 $0x1BF5;
	[smem:$0x3FB5] =	sst s0  }
0x18: {  	s0 =	sld [smem:$0x3F98];
	_ =	swait.ge [sflag:s4], $0x0  }
0x19: {  	s7 =	sld [smem:$0x3F99]  }
0x1a: {  	s8 =	sadd.s32 $0xFFFFE003, lr  }
0x1b: {  	s9 =	sadd.s32 $0xFFFFFEF7, lr;
	s5 =	simm.s32 $0xFFFFFFFF;
	p2 =	slt.u32 s8, $0xFFFFF086  }
0x1c: {  	p1 =	slt.u32 s9, $0xF7A;
	s5 =	simm.s32 @!p2 $0x0  }
0x1d: {  	s5 =	simm.s32 @p1 $0x1;
	p0 =	seq.s32 s7, s2  }
0x1e: {  	s7 =	smul.u32 @!p0 $0xF7A, s2;
	p2 =	seq.s32 @!p0 s5, $0x0  }
0x1f: {  	s9 =	smul.u32 $0xF7A, s1;
	s8 =	simm.s32 @!p0 $0x1BF5;
	p2 =	por !p2, p0  }
0x20: {  	[sflag:s8] =	ssyncset.s32 @!p0 $0xFFFFF086;
	s6 =	sadd.s32 @!p0 s3, s7;
	s7 =	simm.s32 @!p0 $0x108  }
0x21: {  	s3 =	sadd.s32 s3, s9;
	s6 =	sadd.s32 @!p0 $0x88, s6;
	s7 =	simm.s32 @p2 $0x1082  }
0x22: {  	[simem:s7], [sflag:s8] =	dma.local @!p0 [hbm:s6], $0xF7A  }
0x23: {  	s9 =	sor.u32 $0xD0000000, s2;
	s6 =	simm.s32 $0x108;
	_ =	swait.ge @!p0 [sflag:s8], $0x0  }
0x24: {  	s3 =	sadd.s32 $0x88, s3;
	s6 =	simm.s32 @!p1 $0x1082;
	[sflag:s4] =	ssyncset.s32 $0xFFFFF086  }
0x25: {  	[simem:s6], [sflag:s4] =	dma.local [hbm:s3], $0xF7A  }
0x26: {  	[smem:$0x3F99] =	sst s1;
	(tag) =	ssettag s2;
	_ =	strace s9  }
0x27: {  	s1 =	sld [smem:$0x3FA9]  }
0x28: {  	s2 =	sld [smem:$0x3FAA]  }
0x29: {  	s4 =	sld [smem:$0x3FAC]  }
0x2a: {  	p0 =	seq.s32 s5, $0x0;
	s5 =	sld [smem:$0x3FAD]  }
0x2b: {  	s6 =	sld [smem:$0x3FAE]  }
0x2c: {  	s7 =	sld [smem:$0x3FAF]  }
0x2d: {  	s3 =	simm.s32 $0x108;
	s8 =	sld [smem:$0x3FB0]  }
0x2e: {  	s3 =	simm.s32 @!p0 $0x1082;
	s9 =	sld [smem:$0x3FB1]  }
0x2f: {  	lr =	sadd.s32 s0, s3;
	s0 =	sld [smem:$0x3FA8]  }
0x30: {  	s3 =	sld [smem:$0x3FAB]  }
0x31: {  	[smem:$0x3FB4] =	sst s10  }
0x32: {  	s10 =	sld [smem:$0x3FB2];
	_ =	sdelay $0x3  }
0x33: {  	p0 =	seq.s32 s10, $0x1;
	s10 =	sld [smem:$0x3FB4];
	_ =	sdelay $0x3  }
0x34: {  	[smem:$0x3FB4] =	sst s10  }
0x35: {  	s10 =	sld [smem:$0x3FB3];
	_ =	sdelay $0x3  }
0x36: {  	p1 =	seq.s32 s10, $0x1;
	s10 =	sld [smem:$0x3FB4];
	_ =	sdelay $0x3  }
0x37: {  	[smem:$0x3FB4] =	sst s10  }
0x38: {  	s10 =	sld [smem:$0x3FB5]  }
0x39: {  	_ = 	snop;
	(pc) =	sbr.ind lr, $3  }
0x3a: {  	_ = 	snop  }
0x3b: {  	_ = 	snop  }
0x3c: {  	p2 =	seq.s32 s10, $0x1;
	s10 =	sld [smem:$0x3FB4]  }
0x3d: {  	_ =	shalt  }
0x3e: {  	_ =	shalt  }
0x3f: {  	_ =	shalt  }
0x40: {  	_ =	shalt  }
0x41: {  	_ =	shalt  }
0x42: {  	_ =	shalt  }
0x43: {  	_ =	shalt  }
0x44: {  	_ =	shalt  }
0x45: {  	_ =	shalt  }
0x46: {  	_ =	shalt  }
0x47: {  	_ =	shalt  }
0x48: {  	_ =	shalt  }
0x49: {  	_ =	shalt  }
0x4a: {  	_ =	shalt  }
0x4b: {  	_ =	shalt  }
0x4c: {  	_ =	shalt  }
0x4d: {  	_ =	shalt  }
0x4e: {  	_ =	shalt  }
0x4f: {  	_ =	shalt  }
0x50: {  	_ =	shalt  }
0x51: {  	_ =	shalt  }
0x52: {  	_ =	shalt  }
0x53: {  	_ =	shalt  }
0x54: {  	_ =	shalt  }
0x55: {  	_ =	shalt  }
0x56: {  	_ =	shalt  }
0x57: {  	_ =	shalt  }
0x58: {  	_ =	shalt  }
0x59: {  	_ =	shalt  }
0x5a: {  	_ =	shalt  }
0x5b: {  	_ =	shalt  }
0x5c: {  	_ =	shalt  }
0x5d: {  	_ =	shalt  }
0x5e: {  	_ =	shalt  }
0x5f: {  	_ =	shalt  }
0x60: {  	_ =	shalt  }
0x61: {  	_ =	shalt  }
0x62: {  	_ =	shalt  }
0x63: {  	_ =	shalt  }
0x64: {  	_ =	shalt  }
0x65: {  	_ =	shalt  }
0x66: {  	_ =	shalt  }
0x67: {  	_ =	shalt  }
0x68: {  	_ =	shalt  }
0x69: {  	_ =	shalt  }
0x6a: {  	_ =	shalt  }
0x6b: {  	_ =	shalt  }
0x6c: {  	_ =	shalt  }
0x6d: {  	_ =	shalt  }
0x6e: {  	_ =	shalt  }
0x6f: {  	_ =	shalt  }
0x70: {  	_ =	shalt  }
0x71: {  	_ =	shalt  }
0x72: {  	_ =	shalt  }
0x73: {  	_ =	shalt  }
0x74: {  	_ =	shalt  }
0x75: {  	_ =	shalt  }
0x76: {  	_ =	shalt  }
0x77: {  	_ =	shalt  }
0x78: {  	_ =	shalt  }
0x79: {  	_ =	shalt  }
0x7a: {  	_ =	shalt  }
0x7b: {  	_ =	shalt  }
0x7c: {  	_ =	shalt  }
0x7d: {  	_ =	shalt  }
0x7e: {  	_ =	shalt  }
0x7f: {  	_ =	shalt  }
0x80: {  	_ =	shalt  }
0x81: {  	_ =	shalt  }
0x82: {  	_ =	shalt  }
0x83: {  	_ =	shalt  }
0x84: {  	_ =	shalt  }
0x85: {  	_ =	shalt  }
0x86: {  	_ =	shalt  }
0x87: {  	_ =	shalt  }
.Lfunc_end0:
.L_simem_size_0:
called_computation.1_lowered:
.L_overlay_start_0:
0x88: {  	s2 =	sld [smem:$0x3FD9]  }
0x89: {  	s3 =	sld [smem:$0x3FFE];
	_ =	sdelay $0x1  }
0x8a: {  	s1 =	srdreg.scid  }
0x8b: {  	s0 =	sand.u32 $0x1, s1  }
0x8c: {  	s17 =	sshll.u32 s0, $0xA;
	s2 =	sadd.s32 s3, s2  }
0x8d: {  	s2 =	sadd.s32 s2, s17  }
0x8e: {  	[smem:$0x3FC0] =	sst s2  }
0x8f: {  	_ = 	snop  }
0x90: {  	s2 =	sld [smem:$0x3FD0];
	(tm) =	ssettm $0x1  }
0x91: {  	s18 =	sld [smem:$0x3FFB];
	_ =	sdelay $0x3  }
0x92: {  	_ =	strace s18  }
0x93: {  	s3 =	sld [smem:$0x3FFC];
	_ =	sdelay $0x3  }
0x94: {  	_ =	strace s3  }
0x95: {  	s3 =	sld [smem:$0x3FFD];
	_ =	sdelay $0x3  }
0x96: {  	_ =	strace s3  }
0x97: {  	_ =	strace $0x8FFFFFFF  }
0x98: {  	s19 =	sld [smem:$0x3FDB];
	_ =	sdelay $0x1  }
0x99: {  	s4 =	simm.s32 $_scs_section_size  }
0x9a: {  	s5 =	simm.s32 $_size__tile_overlayer_lowered;
	s6 =	simm.s32 $_tile_overlayer_lowered  }
0x9b: {  	s22 =	simm.s32 $0x1BFF;
	s21 =	sshll.u32 s6, $0x1;
	s3 =	sadd.s32 s4, s19  }
0x9c: {  	s7 =	simm.s32 $0x0;
	s20 =	sshll.u32 s5, $0x1;
	s5 =	sadd.s32 s21, s3  }
0x9d: {  	[timem:s7], [sflag:s22] =	dma.local [hbm:s5], s20  }
0x9e: {  	_ =	swait.ge [sflag:s22], s20  }
0x9f: {  	s4 =	ssub.s32 $0x0, s20;
	[sflag:s22] =	ssyncset.done $0x0  }
0xa0: {  	[sflag:s22] =	ssyncadd.s32 s4;
	_ =	sdelay $0x1  }
0xa1: {  	s23 =	simm.s32 $0x1B8B  }
0xa2: {  	_ =	swait.ge [sflag:s23], $0x1  }
0xa3: {  	[sflag:s23] =	ssyncset.done $0x0  }
0xa4: {  	s25 =	simm.s32 $0x1B8E;
	s24 =	sld [smem:$0x3FFE];
	[sflag:s23] =	ssyncadd.s32 $0xFFFFFFFF  }
0xa5: {  	s26 =	simm.s32 $execute0_lowered;
	[smem:$0x3FD2] =	sst s25  }
0xa6: {  	s5 =	sshll.u32 s26, $0x1;
	_ =	strace $0x80000049;
	[dreg:$0x1] =	wrdreg $0xFFFFFFFF  }
0xa7: {  	s28 =	simm.s32 $_size_execute0_lowered;
	s3 =	sadd.s32 s3, s5;
	[dreg:$0x0] =	wrdreg $0x0  }
0xa8: {  	s5 =	sshll.u32 s28, $0x1;
	[dreg:$0x2] =	wrdreg s3  }
0xa9: {  	[dreg:$0x3] =	wrdreg s5  }
0xaa: {  	[dreg:$0x4] =	wrdreg $0xC0  }
0xab: {  	_ =	task [dreg:s7], $0x5FFFF  }
0xac: {  	[dreg:$0x1] =	wrdreg $0xFFFFFFFF  }
0xad: {  	[dreg:$0x0] =	wrdreg $0x60  }
0xae: {  	[dreg:$0x2] =	wrdreg s2  }
0xaf: {  	[dreg:$0x3] =	wrdreg s24  }
0xb0: {  	[dreg:$0x4] =	wrdreg $0xA4000  }
0xb1: {  	[dreg:$0x5] =	wrdreg $0x9  }
0xb2: {  	_ =	task.clear_ibuf [dreg:s7], $0x6FFFF;
	_ =	strace $0x90000049  }
0xb3: {  	s29 =	simm.s32 $0x9;
	_ =	strace $0x8000004B  }
0xb4: {  	_ =	swait.ge [sflag:s29], $0x1  }
0xb5: {  	[sflag:s29] =	ssyncadd.s32 $0xFFFFFFFF  }
0xb6: {  	_ =	strace $0x9000004B  }
0xb7: {  	_ =	sfence  }
0xb8: {  	s30 =	sld [smem:$0x0];
	_ =	sdelay $0x2  }
0xb9: {  	s31 =	sshll.u32 s1, $0xD;
	s1 =	sshrl.u32 s1, $0x2  }
0xba: {  	s3 =	sand.u32 $0x4000, s31;
	s1 =	sadd.s32 s1, s30  }
0xbb: {  	s0 =	sor.u32 s3, s0;
	s1 =	sshll.u32 s1, $0x11  }
0xbc: {  	s0 =	sor.u32 s1, s0  }
0xbd: {  	s0 =	sadd.s32 $0x8F2B, s0  }
0xbe: {  	[sflag:s0] =	ssyncadd.remote.s32 $0x1  }
0xbf: {  	_ =	sfence.sel $0xFFFF  }
0xc0: {  	[dreg:$0x0] =	wrdreg $0xFFFFFFFF;
	(pc) =	sbr.abs _section_cstart, $3  }
0xc1: {  	[dreg:$0x1] =	wrdreg $0xFFFFFFFF  }
0xc2: {  	_ =	task.clear_ibuf [dreg:s7], $0x2FFFF;
	_ =	strace $0x9FFFFFFF  }
0xc3: {  	(tm) =	ssettm $0x7FFFFFFF  }
tec
execute0_lowered:
.L_overlay_start_1:
0x0: {  	(tag) =	ssettag $0x1  }
0x1: {  	s1 =	rddreg [dreg:$0x0]  }
0x2: {  	s0 =	rddreg [dreg:$0x1]  }
0x3: {  	s2 =	rddreg [dreg:$0x2];
	s3 =	srdreg.scid  }
0x4: {  	s4 =	simm.s32 $0x0;
	s11 =	stileid.u32;
	s30 =	simm.s32 $0x1  }
0x5: {  	s31 =	simm.s32 $0x180;
	s28 =	simm.s32 $0x5;
	s3 =	sand.u32 $0x1, s3  }
0x6: {  	[smem:$0x7FF] =	sst s4;
	s8 =	smul.u32 $0x13C00, s11;
	s5 =	sadd.s32 $0xC400, s0  }
0x7: {  	s6 =	sadd.s32 $0x2600, s0;
	s13 =	sadd.s32 $0x16200, s0;
	s10 =	smul.u32 $0x4E200, s11  }
0x8: {  	s14 =	sshll.u32 s11, $0x1;
	s17 =	smul.u32 $0x4E20, s11;
	s11 =	sshll.u32 s11, $0x6  }
0x9: {  	s7 =	smul.u32 $0x13C000, s3;
	_ =	strace $0x8000004A;
	s9 =	ssub.s32 $0x2, s3  }
0xa: {  	[dreg:$0x4] =	wrdreg s13;
	s15 =	sshrl.u32 s9, $0x1;
	s16 =	sshrl.u32 s10, $0x2  }
0xb: {  	s7 =	sadd.s32 s8, s7;
	s8 =	sor.u32 s3, s14;
	s3 =	smul.u32 $0x2710, s3  }
0xc: {  	s13 =	sadd.s32 s16, s2;
	s7 =	sshrl.u32 s7, $0x3;
	s8 =	smul.u32 $0x2710, s8  }
0xd: {  	s10 =	sshrl.u32 s13, $0x3;
	s0 =	sadd.s32 s7, s0;
	s7 =	ssub.s32 s9, s15  }
0xe: {  	s9 =	sor.u32 $0x1C09, s11;
	s3 =	sadd.s32 s3, s17;
	s11 =	simm.s32 $0x0  }
0xf: {  	[dreg:$0xd] =	wrdreg s10;
	s12 =	sshrl.u32 s8, $0x3;
	s23 =	sadd.s32 $0x190, s3  }
0x10: {  	s0 =	sadd.s32 $0x18A00, s0;
	s25 =	sadd.s32 $0xA0, s3;
	s7 =	smax.u32 s7, $0x1  }
0x11: {  	s29 =	sadd.s32 $0x140, s3;
	s3 =	simm.s32 $0x7C00;
	[dreg:$0x5] =	wrdreg s9  }
0x12: {  	s18 =	sadd.s32 s5, s12;
	s19 =	sadd.s32 s6, s12;
	[dreg:$0xa] =	wrdreg s0  }
0x13: {  	s20 =	sadd.s32 $0xA, s12;
	s24 =	sshrl.u32 s23, $0x3;
	[dreg:$0xb] =	wrdreg s7  }
0x14: {  	s26 =	sshrl.u32 s25, $0x3;
	[dreg:$0xc] =	wrdreg s29;
	s23 =	simm.s32 $0x200  }
.Ltmp0:
0x15: {  	s25 =	simm.s32 $0x400;
	[dreg:$0x6] =	wrdreg s18;
	(pc) =	sbr.rel .LBB2_1-.Ltmp0, $4  }
0x16: {  	s0 =	simm.s32 $0x380;
	[dreg:$0x7] =	wrdreg s19;
	s21 =	sadd.s32 s5, s20  }
0x17: {  	s22 =	sadd.s32 s6, s20;
	s16 =	sadd.s32 s24, s6;
	s17 =	sadd.s32 s24, s5  }
0x18: {  	s19 =	sadd.s32 s26, s6;
	s20 =	sadd.s32 s26, s5;
	[dreg:$0x8] =	wrdreg s21  }
0x19: {  	s24 =	simm.s32 $0x50;
	[dreg:$0x9] =	wrdreg s22;
	s22 =	simm.s32 $0x9  }
.LBB2_5:
0x1a: {  	[bflag:$0x0] =	sbarrier.arrive $0xFFFF  }
0x1b: {  	s9 =	rddreg [dreg:$0x5]  }
0x1c: {  	s7 =	rddreg [dreg:$0xa]  }
0x1d: {  	s10 =	rddreg [dreg:$0xd]  }
0x1e: {  	[hbm:s7], [sflag:s9] =	dma.local [spmem:s10], $0x2710  }
0x1f: {  	_ =	swait.ge [sflag:s22], $0x2710  }
0x20: {  	s11 =	rddreg [dreg:$0xe]  }
0x21: {  	s29 =	rddreg [dreg:$0xb];
	s11 =	sadd.s32 $0x1, s11  }
0x22: {  	p0 =	sne.s32 s11, s29  }
.Ltmp1:
0x23: {  	_ = 	snop;
	(pc) =	sbr.rel @!p0 .LBB2_6-.Ltmp1, $3  }
0x24: {  	_ =	sdelay $0x1  }
0x25: {  	[sflag:s22] =	ssyncset.done $0x0  }
0x26: {  	[sflag:s22] =	ssyncadd.s32 $0xFFFFD8F0  }
.LBB2_1:
0x27: {  	[dreg:$0xe] =	wrdreg s11  }
0x28: {  	s7 =	rddreg [dreg:$0x4]  }
0x29: {  	[spmem:s10], [sflag:s9] =	dma.local [hbm:s7], $0x2710  }
0x2a: {  	_ =	swait.ge [sflag:s22], $0x2710  }
0x2b: {  	[sflag:s22] =	ssyncset.done $0x0  }
0x2c: {  	[sflag:s22] =	ssyncadd.s32 $0xFFFFD8F0  }
0x2d: {  	[bflag:$0x0] =	sbarrier.arrive $0xFFFF  }
0x2e: {  	s13 =	rddreg [dreg:$0x6]  }
0x2f: {  	[tilespmem:s4], [sflag:$0x9] =	stream.linear.gather [hbm4b:s13+s4], $0x50, $0x38;
	[tilespmem:$0x1DC80] =	vst v63  }
0x30: {  	_ =	swait.ge [sflag:s22], $0x50  }
0x31: {  	[sflag:s22] =	ssyncset.done $0x0  }
0x32: {  	s14 =	rddreg [dreg:$0x7];
	[sflag:s22] =	ssyncadd.s32 $0xFFFFFFB0  }
0x33: {  	[tilespmem:s23], [sflag:$0x9] =	stream.linear.gather [hbm4b:s14+s4], $0x50, $0x38;
	[tilespmem:$0x1DC80] =	vst v63  }
0x34: {  	_ =	swait.ge [sflag:s22], $0x50  }
0x35: {  	[sflag:s22] =	ssyncset.done $0x0  }
0x36: {  	[sflag:s22] =	ssyncadd.s32 $0xFFFFFFB0  }
0x37: {  	[tilespmem:s25], [sflag:$0x1] =	stream.indirect.gather [hbm4b:s1+s24], $0x80, s4, s24, $0xb8;
	[tilespmem:$0x1DC80] =	vst v63  }
0x38: {  	s18 =	simm.s32 $0x80;
	s15 =	rddreg [dreg:$0x8]  }
0x39: {  	[tilespmem:s18], [sflag:$0x9] =	stream.linear.gather [hbm4b:s15+s4], $0x50, $0x38;
	[tilespmem:$0x1DC80] =	vst v63  }
0x3a: {  	_ =	swait.ge [sflag:s22], $0x50  }
0x3b: {  	[sflag:s22] =	ssyncset.done $0x0  }
0x3c: {  	s26 =	simm.s32 $0x280;
	s21 =	rddreg [dreg:$0x9];
	[sflag:s22] =	ssyncadd.s32 $0xFFFFFFB0  }
0x3d: {  	[tilespmem:s26], [sflag:$0x9] =	stream.linear.gather [hbm4b:s21+s4], $0x50, $0x38;
	[tilespmem:$0x1DC80] =	vst v63  }
.Ltmp2:
0x3e: {  	_ =	swait.ge [sflag:s22], $0x50;
	(pc) =	sbr.rel .LBB2_2-.Ltmp2, $4  }
0x3f: {  	[sflag:s22] =	ssyncset.done $0x0  }
0x40: {  	s29 =	simm.s32 $0x2C00;
	s11 =	simm.s32 $0x0;
	[sflag:s22] =	ssyncadd.s32 $0xFFFFFFB0  }
0x41: {  	[tilespmem:s29], [sflag:$0x2] =	stream.indirect.gather [hbm4b:s1+s24], $0x80, s18, s24, $0xb8;
	[tilespmem:$0x1DC80] =	vst v63  }
0x42: {  	s12 =	simm.s32 $0x0;
	s7 =	simm.s32 $0x3;
	s18 =	rddreg [dreg:$0xc]  }
.LBB2_4:
0x43: {  	p2 =	sgt.u32 s12, $0x1E  }
0x44: {  	s9 =	simm.s32 @!p2 $0x2  }
0x45: {  	_ =	swait.ge @!p2 [sflag:s9], $0x2800  }
0x46: {  	s26 =	simm.s32 @!p2 $0x280;
	[sflag:s9] =	ssyncset.done @!p2 $0x0  }
0x47: {  	s21 =	simm.s32 @!p2 $0x2C00;
	[sflag:s9] =	ssyncadd.s32 @!p2 $0xFFFFD800;
	s9 =	simm.s32 @!p2 $0x50  }
0x48: {  	[spmem:s2] =	stream.indirect.scatter.add.f32 @!p2 [tilespmem:s21], [sflag:$0x6], $0x80, s26, s9, $0xb8;
	[tilespmem:$0x1DC80] =	vst v63  }
0x49: {  	p2 =	seq.s32 s11, $0x4D8;
	_ =	swait.ge [sflag:s28], $0x2800  }
0x4a: {  	s9 =	sshrl.u32 @!p2 s18, $0x3;
	[sflag:s28] =	ssyncset.done $0x0  }
0x4b: {  	s26 =	simm.s32 @!p2 $0x0;
	s21 =	sadd.s32 @!p2 s5, s9;
	[sflag:s28] =	ssyncadd.s32 $0xFFFFD800  }
0x4c: {  	[tilespmem:s26], [sflag:$0x9] =	stream.linear.gather @!p2 [hbm4b:s21+s26], $0x50, $0x38;
	[tilespmem:$0x1DC80] =	vst v63  }
0x4d: {  	s21 =	simm.s32 @!p2 $0x9  }
0x4e: {  	_ =	swait.ge @!p2 [sflag:s21], $0x50  }
0x4f: {  	[sflag:s21] =	ssyncset.done @!p2 $0x0  }
0x50: {  	s29 =	simm.s32 @!p2 $0x200;
	s9 =	sadd.s32 @!p2 s6, s9;
	[sflag:s21] =	ssyncadd.s32 @!p2 $0xFFFFFFB0  }
0x51: {  	[tilespmem:s29], [sflag:$0x9] =	stream.linear.gather @!p2 [hbm4b:s9+s26], $0x50, $0x38;
	[tilespmem:$0x1DC80] =	vst v63  }
0x52: {  	_ =	swait.ge @!p2 [sflag:s21], $0x50  }
0x53: {  	[sflag:s21] =	ssyncset.done @!p2 $0x0  }
0x54: {  	s9 =	simm.s32 @!p2 $0x50;
	[sflag:s21] =	ssyncadd.s32 @!p2 $0xFFFFFFB0;
	s21 =	simm.s32 @!p2 $0x400  }
0x55: {  	[tilespmem:s21], [sflag:$0x1] =	stream.indirect.gather @!p2 [hbm4b:s1+s9], $0x80, s26, s9, $0xb8;
	[tilespmem:$0x1DC80] =	vst v63  }
0x56: {  	s9 =	simm.s32 @!p0 $0x3  }
0x57: {  	_ =	swait.ge @!p0 [sflag:s9], $0x2800  }
0x58: {  	[sflag:s9] =	ssyncset.done @!p0 $0x0  }
0x59: {  	[sflag:s9] =	ssyncadd.s32 @!p0 $0xFFFFD800  }
0x5a: {  	[spmem:s2] =	stream.indirect.scatter.add.f32 @!p0 [tilespmem:s15], [sflag:$0x7], $0x80, s13, s14, $0xb8;
	[tilespmem:$0x1DC80] =	vst v63  }
0x5b: {  	p0 =	sgt.u32 s10, $0x7E  }
0x5c: {  	s9 =	simm.s32 @!p0 $0x6  }
0x5d: {  	_ =	swait.ge @!p0 [sflag:s9], $0x2800  }
0x5e: {  	[sflag:s9] =	ssyncset.done @!p0 $0x0  }
0x5f: {  	[sflag:s9] =	ssyncadd.s32 @!p0 $0xFFFFD800;
	p0 =	sgt.u32 s12, $0x1D  }
0x60: {  	s9 =	sadd.s32 @!p0 s11, s17;
	s10 =	simm.s32 @!p0 $0x0;
	s13 =	simm.s32 @!p0 $0x80  }
0x61: {  	[tilespmem:s13], [sflag:$0x9] =	stream.linear.gather @!p0 [hbm4b:s9+s10], $0x50, $0x38;
	[tilespmem:$0x1DC80] =	vst v63  }
0x62: {  	s9 =	simm.s32 @!p0 $0x9  }
0x63: {  	_ =	swait.ge @!p0 [sflag:s9], $0x50  }
0x64: {  	[sflag:s9] =	ssyncset.done @!p0 $0x0  }
0x65: {  	s14 =	sadd.s32 @!p0 s11, s16;
	s15 =	simm.s32 @!p0 $0x280;
	[sflag:s9] =	ssyncadd.s32 @!p0 $0xFFFFFFB0  }
0x66: {  	[tilespmem:s15], [sflag:$0x9] =	stream.linear.gather @!p0 [hbm4b:s14+s10], $0x50, $0x38;
	[tilespmem:$0x1DC80] =	vst v63  }
0x67: {  	_ =	swait.ge @!p0 [sflag:s9], $0x50  }
0x68: {  	s11 =	sadd.s32 $0x28, s11;
	[sflag:s9] =	ssyncset.done @!p0 $0x0  }
0x69: {  	s10 =	simm.s32 @!p0 $0x2C00;
	[sflag:s9] =	ssyncadd.s32 @!p0 $0xFFFFFFB0;
	s9 =	simm.s32 @!p0 $0x50  }
0x6a: {  	[tilespmem:s10], [sflag:$0x2] =	stream.indirect.gather @!p0 [hbm4b:s1+s9], $0x80, s13, s9, $0xb8;
	[tilespmem:$0x1DC80] =	vst v63  }
0x6b: {  	p0 =	sne.s32 s11, $0x500  }
.Ltmp3:
0x6c: {  	s9 =	simm.s32 @p1 $0x4;
	(pc) =	sbr.rel @!p0 .LBB2_5-.Ltmp3, $4  }
0x6d: {  	s7 =	sadd.s32 $0x4, s7;
	s18 =	sadd.s32 $0x140, s18;
	_ =	swait.ge @p1 [sflag:s9], $0x2800  }
0x6e: {  	s12 =	sadd.s32 $0x1, s12;
	s10 =	simm.s32 @p1 $0x380;
	[sflag:s9] =	ssyncset.done @p1 $0x0  }
0x6f: {  	s13 =	simm.s32 @p1 $0x7C00;
	[sflag:s9] =	ssyncadd.s32 @p1 $0xFFFFD800;
	s9 =	simm.s32 @p1 $0x50  }
0x70: {  	[spmem:s2] =	stream.indirect.scatter.add.f32 @p1 [tilespmem:s13], [sflag:$0x8], $0x80, s10, s9, $0xb8;
	[tilespmem:$0x1DC80] =	vst v63  }
.LBB2_2:
0x71: {  	s10 =	sadd.s32 $0xFFFFFFFB, s7  }
0x72: {  	p0 =	sgt.u32 s10, $0x7C  }
0x73: {  	s10 =	simm.s32 @!p0 $0x7  }
0x74: {  	_ =	swait.ge @!p0 [sflag:s10], $0x2800  }
0x75: {  	s13 =	sadd.s32 $0xFFFFFFFF, s7;
	[sflag:s10] =	ssyncset.done @!p0 $0x0  }
0x76: {  	[sflag:s10] =	ssyncadd.s32 @!p0 $0xFFFFD800;
	p0 =	sgt.u32 s13, $0x7C  }
0x77: {  	s10 =	sadd.s32 @!p0 s11, s20;
	s14 =	simm.s32 @!p0 $0x0;
	s26 =	simm.s32 @!p0 $0x100  }
0x78: {  	[tilespmem:s26], [sflag:$0x9] =	stream.linear.gather @!p0 [hbm4b:s10+s14], $0x50, $0x38;
	[tilespmem:$0x1DC80] =	vst v63  }
0x79: {  	s10 =	simm.s32 @!p0 $0x9  }
0x7a: {  	_ =	swait.ge @!p0 [sflag:s10], $0x50  }
0x7b: {  	[sflag:s10] =	ssyncset.done @!p0 $0x0  }
0x7c: {  	s15 =	sadd.s32 @!p0 s11, s19;
	s13 =	simm.s32 @!p0 $0x300;
	[sflag:s10] =	ssyncadd.s32 @!p0 $0xFFFFFFB0  }
0x7d: {  	[tilespmem:s13], [sflag:$0x9] =	stream.linear.gather @!p0 [hbm4b:s15+s14], $0x50, $0x38;
	[tilespmem:$0x1DC80] =	vst v63  }
0x7e: {  	_ =	swait.ge @!p0 [sflag:s10], $0x50  }
0x7f: {  	p2 =	seq.s32 s11, $0x0;
	[sflag:s10] =	ssyncset.done @!p0 $0x0  }
0x80: {  	s14 =	simm.s32 @!p0 $0x50;
	s15 =	simm.s32 @!p0 $0x5400;
	[sflag:s10] =	ssyncadd.s32 @!p0 $0xFFFFFFB0  }
0x81: {  	[tilespmem:s15], [sflag:$0x3] =	stream.indirect.gather @!p0 [hbm4b:s1+s14], $0x80, s26, s14, $0xb8;
	[tilespmem:$0x1DC80] =	vst v63  }
0x82: {  	p1 =	sgt.u32 @!p2 s7, $0x7C;
	_ =	swait.ge [sflag:s30], $0x2800  }
0x83: {  	p3 =	por p2, !p1;
	[sflag:s30] =	ssyncset.done $0x0  }
.Ltmp4:
0x84: {  	s10 =	simm.s32 @!p2 $0x8;
	[sflag:s30] =	ssyncadd.s32 $0xFFFFD800;
	(pc) =	sbr.rel @!p3 .LBB2_4-.Ltmp4, $4  }
0x85: {  	[spmem:s2] =	stream.indirect.scatter.add.f32 [tilespmem:s25], [sflag:$0x5], $0x80, s23, s24, $0xb8;
	[tilespmem:$0x1DC80] =	vst v63  }
0x86: {  	_ =	swait.ge @!p2 [sflag:s10], $0x2800  }
0x87: {  	[sflag:s10] =	ssyncset.done @!p2 $0x0  }
0x88: {  	p1 =	por @!p2 $0x0, $0x0;
	[sflag:s10] =	ssyncadd.s32 @!p2 $0xFFFFD800;
	s10 =	smov.u32 s7  }
0x89: {  	s10 =	smov.u32 s7  }
0x8a: {  	s10 =	simm.s32 @p2 $0x3  }
0x8b: {  	s26 =	smul.u32 $0x50, s10;
	_ =	sdelay $0x1  }
0x8c: {  	s26 =	sadd.s32 s8, s26  }
0x8d: {  	s26 =	sshrl.u32 s26, $0x3  }
0x8e: {  	s9 =	sadd.s32 s5, s26  }
0x8f: {  	[tilespmem:s31], [sflag:$0x9] =	stream.linear.gather [hbm4b:s9+s4], $0x50, $0x38;
	[tilespmem:$0x1DC80] =	vst v63  }
0x90: {  	_ =	swait.ge [sflag:s22], $0x50  }
0x91: {  	[sflag:s22] =	ssyncset.done $0x0  }
0x92: {  	s29 =	sadd.s32 s6, s26;
	[sflag:s22] =	ssyncadd.s32 $0xFFFFFFB0  }
0x93: {  	[tilespmem:s0], [sflag:$0x9] =	stream.linear.gather [hbm4b:s29+s4], $0x50, $0x38;
	[tilespmem:$0x1DC80] =	vst v63  }
.Ltmp5:
0x94: {  	_ = 	snop;
	(pc) =	sbr.rel .LBB2_4-.Ltmp5, $4  }
0x95: {  	_ =	swait.ge [sflag:s22], $0x50  }
0x96: {  	[sflag:s22] =	ssyncset.done $0x0  }
0x97: {  	p1 =	por $0x1, $0x1;
	[sflag:s22] =	ssyncadd.s32 $0xFFFFFFB0  }
0x98: {  	[tilespmem:s3], [sflag:$0x4] =	stream.indirect.gather [hbm4b:s1+s24], $0x80, s31, s24, $0xb8;
	[tilespmem:$0x1DC80] =	vst v63  }
.LBB2_6:
0x99: {  	_ =	sfence.sel $0x180000  }
0x9a: {  	[bflag:$0x0] =	sbarrier.arrive $0xFFFF  }
0x9b: {  	_ =	strace $0x9000004A  }
0x9c: {  	s0 =	stileid.u32;
	[bflag:$0x2] =	sbarrier.arrive $0xFFFF  }
0x9d: {  	p0 =	sne.s32 s0, $0x0;
	s0 =	rddreg [dreg:$0x3]  }
0x9e: {  	s0 =	sadd.s32 @!p0 $0x100000, s0  }
0x9f: {  	[sflag:s0] =	ssyncadd.tile.s32 @!p0 $0x1;
	_ =	shalt  }
.Lfunc_end2:
_tile_overlayer_lowered:
.L_overlay_start_2:
0xa0: {  	(tag) =	ssettag $0x2  }
0xa1: {  	s0 =	rddreg [dreg:$0x0];
	s2 =	stileid.u32  }
0xa2: {  	s1 =	rddreg [dreg:$0x1];
	p0 =	sne.s32 s2, $0x0  }
0xa3: {  	s3 =	rddreg [dreg:$0x2];
	[bflag:$0x3] =	sbarrier.arrive $0xFFFF;
	s2 =	simm.s32 @!p0 $0x1C09  }
0xa4: {  	[timem:s3], [sflag:s2] =	dma.local @!p0 [hbm:s0], s1  }
0xa5: {  	s0 =	simm.s32 @!p0 $0x9  }
0xa6: {  	_ =	swait.ge @!p0 [sflag:s0], s1  }
0xa7: {  	s1 =	ssub.s32 @!p0 $0x0, s1;
	[sflag:s0] =	ssyncset.done @!p0 $0x0  }
0xa8: {  	[sflag:s0] =	ssyncadd.s32 @!p0 s1  }
0xa9: {  	[bflag:$0x3] =	sbarrier.arrive $0xFFFF  }
0xaa: {  	_ =	shalt  }

</sc_bundles>
